<compile_context>
chip_gen: v7x
topology: tpu7x:2x2x1
jax: 0.10.2.dev20260603
libtpu: 0.0.44.dev20260713+nightly
codegen_flags: <defaults>
</compile_context>

<pallas_src>
import functools

import jax
import jax.numpy as jnp
from jax import lax
from jax.experimental import pallas as pl
from jax.experimental.pallas import tpu as pltpu
from jax.experimental.pallas import tpu_sc as plsc

_NUM_CORES = 2
_NUM_SUBCORES = 16
_NW = _NUM_CORES * _NUM_SUBCORES

_D = 64
_N = 16384
_S = 50
_SP = 56
_LP = 128
_B = _N * _S
_NPW = _N // _NW
_BPW = _B // _NW
_CN = 8
_C = _CN * _S
_NBUF = 4
_NGROUP = _NPW // (_CN * _NBUF)

_mesh = plsc.VectorSubcoreMesh(core_axis_name="c", subcore_axis_name="s")


@functools.partial(
    pl.kernel,
    out_type=jax.ShapeDtypeStruct((_N * _SP, _LP), jnp.float32),
    mesh=_mesh,
    scratch_types=[
        pltpu.VMEM((_NBUF, _C), jnp.int32),
        pltpu.VMEM((_NBUF, _C, _D), jnp.float32),
        pltpu.SemaphoreType.DMA,
        pltpu.SemaphoreType.DMA,
        pltpu.SemaphoreType.DMA,
    ],
    compiler_params=pltpu.CompilerParams(use_tc_tiling_on_sc=False),
)
def _sc_gather(idx_hbm, table_hbm, out_hbm, idx_v, rows_v, sem_i, sem_g, sem_o):
    wid = lax.axis_index("s") * _NUM_CORES + lax.axis_index("c")
    tok0 = wid * _BPW
    seq0 = wid * _NPW

    def body(g, carry):
        gtok = tok0 + g * _C * _NBUF
        gseq = seq0 + g * _CN * _NBUF
        copies = []
        for b in range(_NBUF):
            base = gtok + b * _C
            copies.append(pltpu.async_copy(
                idx_hbm.at[pl.ds(base, _C)], idx_v.at[b], sem_i))
        gathers = []
        for b in range(_NBUF):
            copies[b].wait()
            gathers.append(pltpu.async_copy(
                table_hbm.at[idx_v.at[b]], rows_v.at[b], sem_g))
        stores = []
        for b in range(_NBUF):
            gathers[b].wait()
            for j in range(_CN):
                n = gseq + b * _CN + j
                stores.append(pltpu.async_copy(
                    rows_v.at[b, pl.ds(j * _S, _S), :],
                    out_hbm.at[pl.ds(n * _SP, _S), pl.ds(0, _D)],
                    sem_o))
        for st in stores:
            st.wait()
        return carry

    lax.fori_loop(0, _NGROUP, body, 0)


def kernel(token_ids, embedding_matrix):
    flat_ids = token_ids.reshape(-1).astype(jnp.int32)
    out = _sc_gather(flat_ids, embedding_matrix)
    return out.reshape(_N, _SP, _LP)[:, :_S, :_D]

# --- scband reference (transcript-rebuilt; emitter-appended) ---
"""Pipeline reference for scband-embedding-11596411699501 (READ-ONLY COPY).

The authoritative reference and input builder live on the scoring server;
editing this copy changes nothing except your own understanding.
"""

import jax, jax.numpy as jnp
import numpy as np

NUM_EMBEDDINGS = 1000000
EMBEDDING_DIM = 64

def setup_inputs(seed: int = 0) -> dict:
    key = jax.random.key(seed)
    k_idx, k_tab = jax.random.split(key)
    token_ids = jax.random.randint(k_idx, (16384, 50), 0, NUM_EMBEDDINGS, dtype=jnp.int64 if jax.config.read('jax_enable_x64') else jnp.int32)
    # truncated normal init, mean=0, std=2, clipped to [-3, 3] (matches torch trunc_normal_ semantics approximately)
    embedding_matrix = jax.random.truncated_normal(k_tab, -1.5, 1.5, (NUM_EMBEDDINGS, EMBEDDING_DIM), dtype=jnp.float32) * 2.0
    return {"token_ids": token_ids, "embedding_matrix": embedding_matrix}

def reference(token_ids, embedding_matrix):
    # Faithful translation of: return self.embedding_matrix[token_ids]
    return jnp.take(embedding_matrix, token_ids, axis=0)

if __name__ == "__main__":
    import jax
    _d = setup_inputs()
    print(jax.jit(kernel)(*tuple(_d.values())))

</pallas_src>

<mosaic_0001>
#map = affine_map<(d0, d1) -> (0)>
#map1 = affine_map<(d0, d1) -> (0, 0)>
module attributes {stable_mosaic.version = 14 : i64} {
  func.func @_sc_gather(%arg0: i32, %arg1: i32, %arg2: memref<819200xi32, #tpu.memory_space<hbm>>, %arg3: memref<1000000x64xf32, #tpu.memory_space<hbm>>, %arg4: memref<917504x128xf32, #tpu.memory_space<hbm>>, %arg5: memref<4x400xi32, #tpu.memory_space<vmem>>, %arg6: memref<4x400x64xf32, #tpu.memory_space<vmem>>, %arg7: memref<!tpu.dma_semaphore, #tpu.memory_space<semaphore_mem>>, %arg8: memref<!tpu.dma_semaphore, #tpu.memory_space<semaphore_mem>>, %arg9: memref<!tpu.dma_semaphore, #tpu.memory_space<semaphore_mem>>) attributes {dimension_semantics = [#tpu.dimension_semantics<core_parallel>, #tpu.dimension_semantics<subcore_parallel>], iteration_bounds = array<i64: 2, 16>, scalar_prefetch = 0 : i64, scratch_operands = 5 : i64, tpu.core_type = #tpu.core_type<sc_vector_subcore>, window_params = [{transform_indices = #map}, {transform_indices = #map1}, {transform_indices = #map1}]} {
    %mul3A = arith.constant 2 : i32
    %mul3A_0 = arith.muli %arg1, %mul3A : i32
    %add3A = arith.addi %mul3A_0, %arg0 : i32
    %mul3A_1 = arith.constant 25600 : i32
    %mul3A_2 = arith.muli %add3A, %mul3A_1 : i32
    %mul3A_3 = arith.constant 512 : i32
    %mul3A_4 = arith.muli %add3A, %mul3A_3 : i32
    %scan3A = arith.constant 0 : i32
    %scan3A_5 = arith.constant 0 : i32
    %scan3A_6 = arith.constant 16 : i32
    %scan3A_7 = arith.addi %scan3A_5, %scan3A_6 : i32
    %scan3A_8 = arith.constant 1 : i32
    scf.for %scan3A_10 = %scan3A_5 to %scan3A_7 step %scan3A_8  : i32 {
      %mul3A_11 = arith.constant 400 : i32
      %mul3A_12 = arith.muli %scan3A_10, %mul3A_11 : i32
      %mul3A_13 = arith.constant 4 : i32
      %mul3A_14 = arith.muli %mul3A_12, %mul3A_13 : i32
      %add3A_15 = arith.addi %mul3A_2, %mul3A_14 : i32
      %mul3A_16 = arith.constant 8 : i32
      %mul3A_17 = arith.muli %scan3A_10, %mul3A_16 : i32
      %mul3A_18 = arith.constant 4 : i32
      %mul3A_19 = arith.muli %mul3A_17, %mul3A_18 : i32
      %add3A_20 = arith.addi %mul3A_4, %mul3A_19 : i32
      %add3A_21 = arith.constant 0 : i32
      %add3A_22 = arith.addi %add3A_15, %add3A_21 : i32
      %dma_start3A = arith.constant 0 : i32
      %dma_start3A_23 = arith.constant 0 : i32
      %dma_start3A_24 = tpu.memref_slice %arg5[%dma_start3A, %dma_start3A_23] : memref<4x400xi32, #tpu.memory_space<vmem>> -> memref<1x400xi32, #tpu.memory_space<vmem>>
      %dma_start3A_25 = tpu.memref_squeeze %dma_start3A_24 : memref<1x400xi32, #tpu.memory_space<vmem>> -> memref<400xi32, #tpu.memory_space<vmem>>
      %dma_start3A_26 = tpu.memref_slice %arg2[%add3A_22] : memref<819200xi32, #tpu.memory_space<hbm>> -> memref<400xi32, #tpu.memory_space<hbm>>
      %dma_start3A_27 = arith.constant 0 : i32
      %dma_start3A_28 = tpu.memref_slice %arg5[%dma_start3A, %dma_start3A_27] : memref<4x400xi32, #tpu.memory_space<vmem>> -> memref<1x400xi32, #tpu.memory_space<vmem>>
      %dma_start3A_29 = tpu.memref_squeeze %dma_start3A_28 : memref<1x400xi32, #tpu.memory_space<vmem>> -> memref<400xi32, #tpu.memory_space<vmem>>
      %dma_start3A_30 = tpu.memref_slice %arg2[%add3A_22] : memref<819200xi32, #tpu.memory_space<hbm>> -> memref<400xi32, #tpu.memory_space<hbm>>
      tpu.enqueue_dma source(%dma_start3A_30 : memref<400xi32, #tpu.memory_space<hbm>>) target(%dma_start3A_29 : memref<400xi32, #tpu.memory_space<vmem>>) target_semaphore(%arg7 : memref<!tpu.dma_semaphore, #tpu.memory_space<semaphore_mem>>)
      %add3A_31 = arith.constant 400 : i32
      %add3A_32 = arith.addi %add3A_15, %add3A_31 : i32
      %dma_start3A_33 = arith.constant 1 : i32
      %dma_start3A_34 = arith.constant 0 : i32
      %dma_start3A_35 = tpu.memref_slice %arg5[%dma_start3A_33, %dma_start3A_34] : memref<4x400xi32, #tpu.memory_space<vmem>> -> memref<1x400xi32, #tpu.memory_space<vmem>>
      %dma_start3A_36 = tpu.memref_squeeze %dma_start3A_35 : memref<1x400xi32, #tpu.memory_space<vmem>> -> memref<400xi32, #tpu.memory_space<vmem>>
      %dma_start3A_37 = tpu.memref_slice %arg2[%add3A_32] : memref<819200xi32, #tpu.memory_space<hbm>> -> memref<400xi32, #tpu.memory_space<hbm>>
      %dma_start3A_38 = arith.constant 0 : i32
      %dma_start3A_39 = tpu.memref_slice %arg5[%dma_start3A_33, %dma_start3A_38] : memref<4x400xi32, #tpu.memory_space<vmem>> -> memref<1x400xi32, #tpu.memory_space<vmem>>
      %dma_start3A_40 = tpu.memref_squeeze %dma_start3A_39 : memref<1x400xi32, #tpu.memory_space<vmem>> -> memref<400xi32, #tpu.memory_space<vmem>>
      %dma_start3A_41 = tpu.memref_slice %arg2[%add3A_32] : memref<819200xi32, #tpu.memory_space<hbm>> -> memref<400xi32, #tpu.memory_space<hbm>>
      tpu.enqueue_dma source(%dma_start3A_41 : memref<400xi32, #tpu.memory_space<hbm>>) target(%dma_start3A_40 : memref<400xi32, #tpu.memory_space<vmem>>) target_semaphore(%arg7 : memref<!tpu.dma_semaphore, #tpu.memory_space<semaphore_mem>>)
      %add3A_42 = arith.constant 800 : i32
      %add3A_43 = arith.addi %add3A_15, %add3A_42 : i32
      %dma_start3A_44 = arith.constant 2 : i32
      %dma_start3A_45 = arith.constant 0 : i32
      %dma_start3A_46 = tpu.memref_slice %arg5[%dma_start3A_44, %dma_start3A_45] : memref<4x400xi32, #tpu.memory_space<vmem>> -> memref<1x400xi32, #tpu.memory_space<vmem>>
      %dma_start3A_47 = tpu.memref_squeeze %dma_start3A_46 : memref<1x400xi32, #tpu.memory_space<vmem>> -> memref<400xi32, #tpu.memory_space<vmem>>
      %dma_start3A_48 = tpu.memref_slice %arg2[%add3A_43] : memref<819200xi32, #tpu.memory_space<hbm>> -> memref<400xi32, #tpu.memory_space<hbm>>
      %dma_start3A_49 = arith.constant 0 : i32
      %dma_start3A_50 = tpu.memref_slice %arg5[%dma_start3A_44, %dma_start3A_49] : memref<4x400xi32, #tpu.memory_space<vmem>> -> memref<1x400xi32, #tpu.memory_space<vmem>>
      %dma_start3A_51 = tpu.memref_squeeze %dma_start3A_50 : memref<1x400xi32, #tpu.memory_space<vmem>> -> memref<400xi32, #tpu.memory_space<vmem>>
      %dma_start3A_52 = tpu.memref_slice %arg2[%add3A_43] : memref<819200xi32, #tpu.memory_space<hbm>> -> memref<400xi32, #tpu.memory_space<hbm>>
      tpu.enqueue_dma source(%dma_start3A_52 : memref<400xi32, #tpu.memory_space<hbm>>) target(%dma_start3A_51 : memref<400xi32, #tpu.memory_space<vmem>>) target_semaphore(%arg7 : memref<!tpu.dma_semaphore, #tpu.memory_space<semaphore_mem>>)
      %add3A_53 = arith.constant 1200 : i32
      %add3A_54 = arith.addi %add3A_15, %add3A_53 : i32
      %dma_start3A_55 = arith.constant 3 : i32
      %dma_start3A_56 = arith.constant 0 : i32
      %dma_start3A_57 = tpu.memref_slice %arg5[%dma_start3A_55, %dma_start3A_56] : memref<4x400xi32, #tpu.memory_space<vmem>> -> memref<1x400xi32, #tpu.memory_space<vmem>>
      %dma_start3A_58 = tpu.memref_squeeze %dma_start3A_57 : memref<1x400xi32, #tpu.memory_space<vmem>> -> memref<400xi32, #tpu.memory_space<vmem>>
      %dma_start3A_59 = tpu.memref_slice %arg2[%add3A_54] : memref<819200xi32, #tpu.memory_space<hbm>> -> memref<400xi32, #tpu.memory_space<hbm>>
      %dma_start3A_60 = arith.constant 0 : i32
      %dma_start3A_61 = tpu.memref_slice %arg5[%dma_start3A_55, %dma_start3A_60] : memref<4x400xi32, #tpu.memory_space<vmem>> -> memref<1x400xi32, #tpu.memory_space<vmem>>
      %dma_start3A_62 = tpu.memref_squeeze %dma_start3A_61 : memref<1x400xi32, #tpu.memory_space<vmem>> -> memref<400xi32, #tpu.memory_space<vmem>>
      %dma_start3A_63 = tpu.memref_slice %arg2[%add3A_54] : memref<819200xi32, #tpu.memory_space<hbm>> -> memref<400xi32, #tpu.memory_space<hbm>>
      tpu.enqueue_dma source(%dma_start3A_63 : memref<400xi32, #tpu.memory_space<hbm>>) target(%dma_start3A_62 : memref<400xi32, #tpu.memory_space<vmem>>) target_semaphore(%arg7 : memref<!tpu.dma_semaphore, #tpu.memory_space<semaphore_mem>>)
      %dma_wait3A = arith.constant 0 : i32
      %dma_wait3A_64 = arith.constant 0 : i32
      %dma_wait3A_65 = tpu.memref_slice %arg5[%dma_wait3A, %dma_wait3A_64] : memref<4x400xi32, #tpu.memory_space<vmem>> -> memref<1x400xi32, #tpu.memory_space<vmem>>
      %dma_wait3A_66 = tpu.memref_squeeze %dma_wait3A_65 : memref<1x400xi32, #tpu.memory_space<vmem>> -> memref<400xi32, #tpu.memory_space<vmem>>
      %dma_wait3A_67 = tpu.memref_slice %arg2[%add3A_22] : memref<819200xi32, #tpu.memory_space<hbm>> -> memref<400xi32, #tpu.memory_space<hbm>>
      %dma_wait3A_68 = arith.constant 0 : i32
      %dma_wait3A_69 = tpu.memref_slice %arg5[%dma_wait3A, %dma_wait3A_68] : memref<4x400xi32, #tpu.memory_space<vmem>> -> memref<1x400xi32, #tpu.memory_space<vmem>>
      %dma_wait3A_70 = tpu.memref_squeeze %dma_wait3A_69 : memref<1x400xi32, #tpu.memory_space<vmem>> -> memref<400xi32, #tpu.memory_space<vmem>>
      %dma_wait3A_71 = tpu.memref_slice %arg2[%add3A_22] : memref<819200xi32, #tpu.memory_space<hbm>> -> memref<400xi32, #tpu.memory_space<hbm>>
      tpu.wait_dma2 semaphore(%arg7 : memref<!tpu.dma_semaphore, #tpu.memory_space<semaphore_mem>>) src(%dma_wait3A_71 : memref<400xi32, #tpu.memory_space<hbm>>) dst(%dma_wait3A_70 : memref<400xi32, #tpu.memory_space<vmem>>)
      %dma_start3A_72 = arith.constant 0 : i32
      %dma_start3A_73 = arith.constant 0 : i32
      %dma_start3A_74 = arith.constant 0 : i32
      %dma_start3A_75 = arith.constant 0 : i32
      %dma_start3A_76 = tpu.memref_slice %arg6[%dma_start3A_73, %dma_start3A_74, %dma_start3A_75] : memref<4x400x64xf32, #tpu.memory_space<vmem>> -> memref<1x400x64xf32, #tpu.memory_space<vmem>>
      %dma_start3A_77 = tpu.memref_squeeze %dma_start3A_76 : memref<1x400x64xf32, #tpu.memory_space<vmem>> -> memref<400x64xf32, #tpu.memory_space<vmem>>
      %dma_start3A_78 = arith.constant 0 : i32
      %dma_start3A_79 = tpu.memref_slice %arg5[%dma_start3A_72, %dma_start3A_78] : memref<4x400xi32, #tpu.memory_space<vmem>> -> memref<1x400xi32, #tpu.memory_space<vmem>>
      %dma_start3A_80 = tpu.memref_squeeze %dma_start3A_79 : memref<1x400xi32, #tpu.memory_space<vmem>> -> memref<400xi32, #tpu.memory_space<vmem>>
      %dma_start3A_81 = arith.constant 0 : i32
      %dma_start3A_82 = arith.constant 0 : i32
      %dma_start3A_83 = tpu.memref_slice %arg3[%dma_start3A_81, %dma_start3A_82] : memref<1000000x64xf32, #tpu.memory_space<hbm>> -> memref<1000000x64xf32, #tpu.memory_space<hbm>>
      tpu.enqueue_indirect_dma source(%dma_start3A_83 : memref<1000000x64xf32, #tpu.memory_space<hbm>>) target(%dma_start3A_77 : memref<400x64xf32, #tpu.memory_space<vmem>>) offsets(%dma_start3A_80 : memref<400xi32, #tpu.memory_space<vmem>>) semaphore(%arg8 : memref<!tpu.dma_semaphore, #tpu.memory_space<semaphore_mem>>)
      %dma_wait3A_84 = arith.constant 1 : i32
      %dma_wait3A_85 = arith.constant 0 : i32
      %dma_wait3A_86 = tpu.memref_slice %arg5[%dma_wait3A_84, %dma_wait3A_85] : memref<4x400xi32, #tpu.memory_space<vmem>> -> memref<1x400xi32, #tpu.memory_space<vmem>>
      %dma_wait3A_87 = tpu.memref_squeeze %dma_wait3A_86 : memref<1x400xi32, #tpu.memory_space<vmem>> -> memref<400xi32, #tpu.memory_space<vmem>>
      %dma_wait3A_88 = tpu.memref_slice %arg2[%add3A_32] : memref<819200xi32, #tpu.memory_space<hbm>> -> memref<400xi32, #tpu.memory_space<hbm>>
      %dma_wait3A_89 = arith.constant 0 : i32
      %dma_wait3A_90 = tpu.memref_slice %arg5[%dma_wait3A_84, %dma_wait3A_89] : memref<4x400xi32, #tpu.memory_space<vmem>> -> memref<1x400xi32, #tpu.memory_space<vmem>>
      %dma_wait3A_91 = tpu.memref_squeeze %dma_wait3A_90 : memref<1x400xi32, #tpu.memory_space<vmem>> -> memref<400xi32, #tpu.memory_space<vmem>>
      %dma_wait3A_92 = tpu.memref_slice %arg2[%add3A_32] : memref<819200xi32, #tpu.memory_space<hbm>> -> memref<400xi32, #tpu.memory_space<hbm>>
      tpu.wait_dma2 semaphore(%arg7 : memref<!tpu.dma_semaphore, #tpu.memory_space<semaphore_mem>>) src(%dma_wait3A_92 : memref<400xi32, #tpu.memory_space<hbm>>) dst(%dma_wait3A_91 : memref<400xi32, #tpu.memory_space<vmem>>)
      %dma_start3A_93 = arith.constant 1 : i32
      %dma_start3A_94 = arith.constant 1 : i32
      %dma_start3A_95 = arith.constant 0 : i32
      %dma_start3A_96 = arith.constant 0 : i32
      %dma_start3A_97 = tpu.memref_slice %arg6[%dma_start3A_94, %dma_start3A_95, %dma_start3A_96] : memref<4x400x64xf32, #tpu.memory_space<vmem>> -> memref<1x400x64xf32, #tpu.memory_space<vmem>>
      %dma_start3A_98 = tpu.memref_squeeze %dma_start3A_97 : memref<1x400x64xf32, #tpu.memory_space<vmem>> -> memref<400x64xf32, #tpu.memory_space<vmem>>
      %dma_start3A_99 = arith.constant 0 : i32
      %dma_start3A_100 = tpu.memref_slice %arg5[%dma_start3A_93, %dma_start3A_99] : memref<4x400xi32, #tpu.memory_space<vmem>> -> memref<1x400xi32, #tpu.memory_space<vmem>>
      %dma_start3A_101 = tpu.memref_squeeze %dma_start3A_100 : memref<1x400xi32, #tpu.memory_space<vmem>> -> memref<400xi32, #tpu.memory_space<vmem>>
      %dma_start3A_102 = arith.constant 0 : i32
      %dma_start3A_103 = arith.constant 0 : i32
      %dma_start3A_104 = tpu.memref_slice %arg3[%dma_start3A_102, %dma_start3A_103] : memref<1000000x64xf32, #tpu.memory_space<hbm>> -> memref<1000000x64xf32, #tpu.memory_space<hbm>>
      tpu.enqueue_indirect_dma source(%dma_start3A_104 : memref<1000000x64xf32, #tpu.memory_space<hbm>>) target(%dma_start3A_98 : memref<400x64xf32, #tpu.memory_space<vmem>>) offsets(%dma_start3A_101 : memref<400xi32, #tpu.memory_space<vmem>>) semaphore(%arg8 : memref<!tpu.dma_semaphore, #tpu.memory_space<semaphore_mem>>)
      %dma_wait3A_105 = arith.constant 2 : i32
      %dma_wait3A_106 = arith.constant 0 : i32
      %dma_wait3A_107 = tpu.memref_slice %arg5[%dma_wait3A_105, %dma_wait3A_106] : memref<4x400xi32, #tpu.memory_space<vmem>> -> memref<1x400xi32, #tpu.memory_space<vmem>>
      %dma_wait3A_108 = tpu.memref_squeeze %dma_wait3A_107 : memref<1x400xi32, #tpu.memory_space<vmem>> -> memref<400xi32, #tpu.memory_space<vmem>>
      %dma_wait3A_109 = tpu.memref_slice %arg2[%add3A_43] : memref<819200xi32, #tpu.memory_space<hbm>> -> memref<400xi32, #tpu.memory_space<hbm>>
      %dma_wait3A_110 = arith.constant 0 : i32
      %dma_wait3A_111 = tpu.memref_slice %arg5[%dma_wait3A_105, %dma_wait3A_110] : memref<4x400xi32, #tpu.memory_space<vmem>> -> memref<1x400xi32, #tpu.memory_space<vmem>>
      %dma_wait3A_112 = tpu.memref_squeeze %dma_wait3A_111 : memref<1x400xi32, #tpu.memory_space<vmem>> -> memref<400xi32, #tpu.memory_space<vmem>>
      %dma_wait3A_113 = tpu.memref_slice %arg2[%add3A_43] : memref<819200xi32, #tpu.memory_space<hbm>> -> memref<400xi32, #tpu.memory_space<hbm>>
      tpu.wait_dma2 semaphore(%arg7 : memref<!tpu.dma_semaphore, #tpu.memory_space<semaphore_mem>>) src(%dma_wait3A_113 : memref<400xi32, #tpu.memory_space<hbm>>) dst(%dma_wait3A_112 : memref<400xi32, #tpu.memory_space<vmem>>)
      %dma_start3A_114 = arith.constant 2 : i32
      %dma_start3A_115 = arith.constant 2 : i32
      %dma_start3A_116 = arith.constant 0 : i32
      %dma_start3A_117 = arith.constant 0 : i32
      %dma_start3A_118 = tpu.memref_slice %arg6[%dma_start3A_115, %dma_start3A_116, %dma_start3A_117] : memref<4x400x64xf32, #tpu.memory_space<vmem>> -> memref<1x400x64xf32, #tpu.memory_space<vmem>>
      %dma_start3A_119 = tpu.memref_squeeze %dma_start3A_118 : memref<1x400x64xf32, #tpu.memory_space<vmem>> -> memref<400x64xf32, #tpu.memory_space<vmem>>
      %dma_start3A_120 = arith.constant 0 : i32
      %dma_start3A_121 = tpu.memref_slice %arg5[%dma_start3A_114, %dma_start3A_120] : memref<4x400xi32, #tpu.memory_space<vmem>> -> memref<1x400xi32, #tpu.memory_space<vmem>>
      %dma_start3A_122 = tpu.memref_squeeze %dma_start3A_121 : memref<1x400xi32, #tpu.memory_space<vmem>> -> memref<400xi32, #tpu.memory_space<vmem>>
      %dma_start3A_123 = arith.constant 0 : i32
      %dma_start3A_124 = arith.constant 0 : i32
      %dma_start3A_125 = tpu.memref_slice %arg3[%dma_start3A_123, %dma_start3A_124] : memref<1000000x64xf32, #tpu.memory_space<hbm>> -> memref<1000000x64xf32, #tpu.memory_space<hbm>>
      tpu.enqueue_indirect_dma source(%dma_start3A_125 : memref<1000000x64xf32, #tpu.memory_space<hbm>>) target(%dma_start3A_119 : memref<400x64xf32, #tpu.memory_space<vmem>>) offsets(%dma_start3A_122 : memref<400xi32, #tpu.memory_space<vmem>>) semaphore(%arg8 : memref<!tpu.dma_semaphore, #tpu.memory_space<semaphore_mem>>)
      %dma_wait3A_126 = arith.constant 3 : i32
      %dma_wait3A_127 = arith.constant 0 : i32
      %dma_wait3A_128 = tpu.memref_slice %arg5[%dma_wait3A_126, %dma_wait3A_127] : memref<4x400xi32, #tpu.memory_space<vmem>> -> memref<1x400xi32, #tpu.memory_space<vmem>>
      %dma_wait3A_129 = tpu.memref_squeeze %dma_wait3A_128 : memref<1x400xi32, #tpu.memory_space<vmem>> -> memref<400xi32, #tpu.memory_space<vmem>>
      %dma_wait3A_130 = tpu.memref_slice %arg2[%add3A_54] : memref<819200xi32, #tpu.memory_space<hbm>> -> memref<400xi32, #tpu.memory_space<hbm>>
      %dma_wait3A_131 = arith.constant 0 : i32
      %dma_wait3A_132 = tpu.memref_slice %arg5[%dma_wait3A_126, %dma_wait3A_131] : memref<4x400xi32, #tpu.memory_space<vmem>> -> memref<1x400xi32, #tpu.memory_space<vmem>>
      %dma_wait3A_133 = tpu.memref_squeeze %dma_wait3A_132 : memref<1x400xi32, #tpu.memory_space<vmem>> -> memref<400xi32, #tpu.memory_space<vmem>>
      %dma_wait3A_134 = tpu.memref_slice %arg2[%add3A_54] : memref<819200xi32, #tpu.memory_space<hbm>> -> memref<400xi32, #tpu.memory_space<hbm>>
      tpu.wait_dma2 semaphore(%arg7 : memref<!tpu.dma_semaphore, #tpu.memory_space<semaphore_mem>>) src(%dma_wait3A_134 : memref<400xi32, #tpu.memory_space<hbm>>) dst(%dma_wait3A_133 : memref<400xi32, #tpu.memory_space<vmem>>)
      %dma_start3A_135 = arith.constant 3 : i32
      %dma_start3A_136 = arith.constant 3 : i32
      %dma_start3A_137 = arith.constant 0 : i32
      %dma_start3A_138 = arith.constant 0 : i32
      %dma_start3A_139 = tpu.memref_slice %arg6[%dma_start3A_136, %dma_start3A_137, %dma_start3A_138] : memref<4x400x64xf32, #tpu.memory_space<vmem>> -> memref<1x400x64xf32, #tpu.memory_space<vmem>>
      %dma_start3A_140 = tpu.memref_squeeze %dma_start3A_139 : memref<1x400x64xf32, #tpu.memory_space<vmem>> -> memref<400x64xf32, #tpu.memory_space<vmem>>
      %dma_start3A_141 = arith.constant 0 : i32
      %dma_start3A_142 = tpu.memref_slice %arg5[%dma_start3A_135, %dma_start3A_141] : memref<4x400xi32, #tpu.memory_space<vmem>> -> memref<1x400xi32, #tpu.memory_space<vmem>>
      %dma_start3A_143 = tpu.memref_squeeze %dma_start3A_142 : memref<1x400xi32, #tpu.memory_space<vmem>> -> memref<400xi32, #tpu.memory_space<vmem>>
      %dma_start3A_144 = arith.constant 0 : i32
      %dma_start3A_145 = arith.constant 0 : i32
      %dma_start3A_146 = tpu.memref_slice %arg3[%dma_start3A_144, %dma_start3A_145] : memref<1000000x64xf32, #tpu.memory_space<hbm>> -> memref<1000000x64xf32, #tpu.memory_space<hbm>>
      tpu.enqueue_indirect_dma source(%dma_start3A_146 : memref<1000000x64xf32, #tpu.memory_space<hbm>>) target(%dma_start3A_140 : memref<400x64xf32, #tpu.memory_space<vmem>>) offsets(%dma_start3A_143 : memref<400xi32, #tpu.memory_space<vmem>>) semaphore(%arg8 : memref<!tpu.dma_semaphore, #tpu.memory_space<semaphore_mem>>)
      %dma_wait3A_147 = arith.constant 0 : i32
      %dma_wait3A_148 = arith.constant 0 : i32
      %dma_wait3A_149 = arith.constant 0 : i32
      %dma_wait3A_150 = arith.constant 0 : i32
      %dma_wait3A_151 = tpu.memref_slice %arg6[%dma_wait3A_148, %dma_wait3A_149, %dma_wait3A_150] : memref<4x400x64xf32, #tpu.memory_space<vmem>> -> memref<1x400x64xf32, #tpu.memory_space<vmem>>
      %dma_wait3A_152 = tpu.memref_squeeze %dma_wait3A_151 : memref<1x400x64xf32, #tpu.memory_space<vmem>> -> memref<400x64xf32, #tpu.memory_space<vmem>>
      %dma_wait3A_153 = arith.constant 0 : i32
      %dma_wait3A_154 = tpu.memref_slice %arg5[%dma_wait3A_147, %dma_wait3A_153] : memref<4x400xi32, #tpu.memory_space<vmem>> -> memref<1x400xi32, #tpu.memory_space<vmem>>
      %dma_wait3A_155 = tpu.memref_squeeze %dma_wait3A_154 : memref<1x400xi32, #tpu.memory_space<vmem>> -> memref<400xi32, #tpu.memory_space<vmem>>
      %dma_wait3A_156 = arith.constant 0 : i32
      %dma_wait3A_157 = arith.constant 0 : i32
      %dma_wait3A_158 = tpu.memref_slice %arg3[%dma_wait3A_156, %dma_wait3A_157] : memref<1000000x64xf32, #tpu.memory_space<hbm>> -> memref<1000000x64xf32, #tpu.memory_space<hbm>>
      tpu.wait_indirect_dma semaphore(%arg8 : memref<!tpu.dma_semaphore, #tpu.memory_space<semaphore_mem>>) src(%dma_wait3A_158 : memref<1000000x64xf32, #tpu.memory_space<hbm>>) dst(%dma_wait3A_152 : memref<400x64xf32, #tpu.memory_space<vmem>>)
      %add3A_159 = arith.constant 0 : i32
      %add3A_160 = arith.addi %add3A_20, %add3A_159 : i32
      %add3A_161 = arith.constant 0 : i32
      %add3A_162 = arith.addi %add3A_160, %add3A_161 : i32
      %mul3A_163 = arith.constant 56 : i32
      %mul3A_164 = arith.muli %add3A_162, %mul3A_163 : i32
      %dma_start3A_165 = arith.constant 0 : i32
      %dma_start3A_166 = arith.constant 0 : i32
      %dma_start3A_167 = arith.constant 0 : i32
      %dma_start3A_168 = tpu.memref_slice %arg6[%dma_start3A_165, %dma_start3A_166, %dma_start3A_167] : memref<4x400x64xf32, #tpu.memory_space<vmem>> -> memref<1x50x64xf32, #tpu.memory_space<vmem>>
      %dma_start3A_169 = tpu.memref_squeeze %dma_start3A_168 : memref<1x50x64xf32, #tpu.memory_space<vmem>> -> memref<50x64xf32, #tpu.memory_space<vmem>>
      %dma_start3A_170 = arith.constant 0 : i32
      %dma_start3A_171 = tpu.memref_slice %arg4[%mul3A_164, %dma_start3A_170] : memref<917504x128xf32, #tpu.memory_space<hbm>> -> memref<50x64xf32, #tpu.memory_space<hbm>>
      %dma_start3A_172 = arith.constant 0 : i32
      %dma_start3A_173 = tpu.memref_slice %arg4[%mul3A_164, %dma_start3A_172] : memref<917504x128xf32, #tpu.memory_space<hbm>> -> memref<50x64xf32, #tpu.memory_space<hbm>>
      %dma_start3A_174 = arith.constant 0 : i32
      %dma_start3A_175 = arith.constant 0 : i32
      %dma_start3A_176 = tpu.memref_slice %arg6[%dma_start3A_165, %dma_start3A_174, %dma_start3A_175] : memref<4x400x64xf32, #tpu.memory_space<vmem>> -> memref<1x50x64xf32, #tpu.memory_space<vmem>>
      %dma_start3A_177 = tpu.memref_squeeze %dma_start3A_176 : memref<1x50x64xf32, #tpu.memory_space<vmem>> -> memref<50x64xf32, #tpu.memory_space<vmem>>
      tpu.enqueue_dma source(%dma_start3A_177 : memref<50x64xf32, #tpu.memory_space<vmem>>) target(%dma_start3A_173 : memref<50x64xf32, #tpu.memory_space<hbm>>) target_semaphore(%arg9 : memref<!tpu.dma_semaphore, #tpu.memory_space<semaphore_mem>>)
      %add3A_178 = arith.constant 0 : i32
      %add3A_179 = arith.addi %add3A_20, %add3A_178 : i32
      %add3A_180 = arith.constant 1 : i32
      %add3A_181 = arith.addi %add3A_179, %add3A_180 : i32
      %mul3A_182 = arith.constant 56 : i32
      %mul3A_183 = arith.muli %add3A_181, %mul3A_182 : i32
      %dma_start3A_184 = arith.constant 0 : i32
      %dma_start3A_185 = arith.constant 50 : i32
      %dma_start3A_186 = arith.constant 0 : i32
      %dma_start3A_187 = tpu.memref_slice %arg6[%dma_start3A_184, %dma_start3A_185, %dma_start3A_186] : memref<4x400x64xf32, #tpu.memory_space<vmem>> -> memref<1x50x64xf32, #tpu.memory_space<vmem>>
      %dma_start3A_188 = tpu.memref_squeeze %dma_start3A_187 : memref<1x50x64xf32, #tpu.memory_space<vmem>> -> memref<50x64xf32, #tpu.memory_space<vmem>>
      %dma_start3A_189 = arith.constant 0 : i32
      %dma_start3A_190 = tpu.memref_slice %arg4[%mul3A_183, %dma_start3A_189] : memref<917504x128xf32, #tpu.memory_space<hbm>> -> memref<50x64xf32, #tpu.memory_space<hbm>>
      %dma_start3A_191 = arith.constant 0 : i32
      %dma_start3A_192 = tpu.memref_slice %arg4[%mul3A_183, %dma_start3A_191] : memref<917504x128xf32, #tpu.memory_space<hbm>> -> memref<50x64xf32, #tpu.memory_space<hbm>>
      %dma_start3A_193 = arith.constant 50 : i32
      %dma_start3A_194 = arith.constant 0 : i32
      %dma_start3A_195 = tpu.memref_slice %arg6[%dma_start3A_184, %dma_start3A_193, %dma_start3A_194] : memref<4x400x64xf32, #tpu.memory_space<vmem>> -> memref<1x50x64xf32, #tpu.memory_space<vmem>>
      %dma_start3A_196 = tpu.memref_squeeze %dma_start3A_195 : memref<1x50x64xf32, #tpu.memory_space<vmem>> -> memref<50x64xf32, #tpu.memory_space<vmem>>
      tpu.enqueue_dma source(%dma_start3A_196 : memref<50x64xf32, #tpu.memory_space<vmem>>) target(%dma_start3A_192 : memref<50x64xf32, #tpu.memory_space<hbm>>) target_semaphore(%arg9 : memref<!tpu.dma_semaphore, #tpu.memory_space<semaphore_mem>>)
      %add3A_197 = arith.constant 0 : i32
      %add3A_198 = arith.addi %add3A_20, %add3A_197 : i32
      %add3A_199 = arith.constant 2 : i32
      %add3A_200 = arith.addi %add3A_198, %add3A_199 : i32
      %mul3A_201 = arith.constant 56 : i32
      %mul3A_202 = arith.muli %add3A_200, %mul3A_201 : i32
      %dma_start3A_203 = arith.constant 0 : i32
      %dma_start3A_204 = arith.constant 100 : i32
      %dma_start3A_205 = arith.constant 0 : i32
      %dma_start3A_206 = tpu.memref_slice %arg6[%dma_start3A_203, %dma_start3A_204, %dma_start3A_205] : memref<4x400x64xf32, #tpu.memory_space<vmem>> -> memref<1x50x64xf32, #tpu.memory_space<vmem>>
      %dma_start3A_207 = tpu.memref_squeeze %dma_start3A_206 : memref<1x50x64xf32, #tpu.memory_space<vmem>> -> memref<50x64xf32, #tpu.memory_space<vmem>>
      %dma_start3A_208 = arith.constant 0 : i32
      %dma_start3A_209 = tpu.memref_slice %arg4[%mul3A_202, %dma_start3A_208] : memref<917504x128xf32, #tpu.memory_space<hbm>> -> memref<50x64xf32, #tpu.memory_space<hbm>>
      %dma_start3A_210 = arith.constant 0 : i32
      %dma_start3A_211 = tpu.memref_slice %arg4[%mul3A_202, %dma_start3A_210] : memref<917504x128xf32, #tpu.memory_space<hbm>> -> memref<50x64xf32, #tpu.memory_space<hbm>>
      %dma_start3A_212 = arith.constant 100 : i32
      %dma_start3A_213 = arith.constant 0 : i32
      %dma_start3A_214 = tpu.memref_slice %arg6[%dma_start3A_203, %dma_start3A_212, %dma_start3A_213] : memref<4x400x64xf32, #tpu.memory_space<vmem>> -> memref<1x50x64xf32, #tpu.memory_space<vmem>>
      %dma_start3A_215 = tpu.memref_squeeze %dma_start3A_214 : memref<1x50x64xf32, #tpu.memory_space<vmem>> -> memref<50x64xf32, #tpu.memory_space<vmem>>
      tpu.enqueue_dma source(%dma_start3A_215 : memref<50x64xf32, #tpu.memory_space<vmem>>) target(%dma_start3A_211 : memref<50x64xf32, #tpu.memory_space<hbm>>) target_semaphore(%arg9 : memref<!tpu.dma_semaphore, #tpu.memory_space<semaphore_mem>>)
      %add3A_216 = arith.constant 0 : i32
      %add3A_217 = arith.addi %add3A_20, %add3A_216 : i32
      %add3A_218 = arith.constant 3 : i32
      %add3A_219 = arith.addi %add3A_217, %add3A_218 : i32
      %mul3A_220 = arith.constant 56 : i32
      %mul3A_221 = arith.muli %add3A_219, %mul3A_220 : i32
      %dma_start3A_222 = arith.constant 0 : i32
      %dma_start3A_223 = arith.constant 150 : i32
      %dma_start3A_224 = arith.constant 0 : i32
      %dma_start3A_225 = tpu.memref_slice %arg6[%dma_start3A_222, %dma_start3A_223, %dma_start3A_224] : memref<4x400x64xf32, #tpu.memory_space<vmem>> -> memref<1x50x64xf32, #tpu.memory_space<vmem>>
      %dma_start3A_226 = tpu.memref_squeeze %dma_start3A_225 : memref<1x50x64xf32, #tpu.memory_space<vmem>> -> memref<50x64xf32, #tpu.memory_space<vmem>>
      %dma_start3A_227 = arith.constant 0 : i32
      %dma_start3A_228 = tpu.memref_slice %arg4[%mul3A_221, %dma_start3A_227] : memref<917504x128xf32, #tpu.memory_space<hbm>> -> memref<50x64xf32, #tpu.memory_space<hbm>>
      %dma_start3A_229 = arith.constant 0 : i32
      %dma_start3A_230 = tpu.memref_slice %arg4[%mul3A_221, %dma_start3A_229] : memref<917504x128xf32, #tpu.memory_space<hbm>> -> memref<50x64xf32, #tpu.memory_space<hbm>>
      %dma_start3A_231 = arith.constant 150 : i32
      %dma_start3A_232 = arith.constant 0 : i32
      %dma_start3A_233 = tpu.memref_slice %arg6[%dma_start3A_222, %dma_start3A_231, %dma_start3A_232] : memref<4x400x64xf32, #tpu.memory_space<vmem>> -> memref<1x50x64xf32, #tpu.memory_space<vmem>>
      %dma_start3A_234 = tpu.memref_squeeze %dma_start3A_233 : memref<1x50x64xf32, #tpu.memory_space<vmem>> -> memref<50x64xf32, #tpu.memory_space<vmem>>
      tpu.enqueue_dma source(%dma_start3A_234 : memref<50x64xf32, #tpu.memory_space<vmem>>) target(%dma_start3A_230 : memref<50x64xf32, #tpu.memory_space<hbm>>) target_semaphore(%arg9 : memref<!tpu.dma_semaphore, #tpu.memory_space<semaphore_mem>>)
      %add3A_235 = arith.constant 0 : i32
      %add3A_236 = arith.addi %add3A_20, %add3A_235 : i32
      %add3A_237 = arith.constant 4 : i32
      %add3A_238 = arith.addi %add3A_236, %add3A_237 : i32
      %mul3A_239 = arith.constant 56 : i32
      %mul3A_240 = arith.muli %add3A_238, %mul3A_239 : i32
      %dma_start3A_241 = arith.constant 0 : i32
      %dma_start3A_242 = arith.constant 200 : i32
      %dma_start3A_243 = arith.constant 0 : i32
      %dma_start3A_244 = tpu.memref_slice %arg6[%dma_start3A_241, %dma_start3A_242, %dma_start3A_243] : memref<4x400x64xf32, #tpu.memory_space<vmem>> -> memref<1x50x64xf32, #tpu.memory_space<vmem>>
      %dma_start3A_245 = tpu.memref_squeeze %dma_start3A_244 : memref<1x50x64xf32, #tpu.memory_space<vmem>> -> memref<50x64xf32, #tpu.memory_space<vmem>>
      %dma_start3A_246 = arith.constant 0 : i32
      %dma_start3A_247 = tpu.memref_slice %arg4[%mul3A_240, %dma_start3A_246] : memref<917504x128xf32, #tpu.memory_space<hbm>> -> memref<50x64xf32, #tpu.memory_space<hbm>>
      %dma_start3A_248 = arith.constant 0 : i32
      %dma_start3A_249 = tpu.memref_slice %arg4[%mul3A_240, %dma_start3A_248] : memref<917504x128xf32, #tpu.memory_space<hbm>> -> memref<50x64xf32, #tpu.memory_space<hbm>>
      %dma_start3A_250 = arith.constant 200 : i32
      %dma_start3A_251 = arith.constant 0 : i32
      %dma_start3A_252 = tpu.memref_slice %arg6[%dma_start3A_241, %dma_start3A_250, %dma_start3A_251] : memref<4x400x64xf32, #tpu.memory_space<vmem>> -> memref<1x50x64xf32, #tpu.memory_space<vmem>>
      %dma_start3A_253 = tpu.memref_squeeze %dma_start3A_252 : memref<1x50x64xf32, #tpu.memory_space<vmem>> -> memref<50x64xf32, #tpu.memory_space<vmem>>
      tpu.enqueue_dma source(%dma_start3A_253 : memref<50x64xf32, #tpu.memory_space<vmem>>) target(%dma_start3A_249 : memref<50x64xf32, #tpu.memory_space<hbm>>) target_semaphore(%arg9 : memref<!tpu.dma_semaphore, #tpu.memory_space<semaphore_mem>>)
      %add3A_254 = arith.constant 0 : i32
      %add3A_255 = arith.addi %add3A_20, %add3A_254 : i32
      %add3A_256 = arith.constant 5 : i32
      %add3A_257 = arith.addi %add3A_255, %add3A_256 : i32
      %mul3A_258 = arith.constant 56 : i32
      %mul3A_259 = arith.muli %add3A_257, %mul3A_258 : i32
      %dma_start3A_260 = arith.constant 0 : i32
      %dma_start3A_261 = arith.constant 250 : i32
      %dma_start3A_262 = arith.constant 0 : i32
      %dma_start3A_263 = tpu.memref_slice %arg6[%dma_start3A_260, %dma_start3A_261, %dma_start3A_262] : memref<4x400x64xf32, #tpu.memory_space<vmem>> -> memref<1x50x64xf32, #tpu.memory_space<vmem>>
      %dma_start3A_264 = tpu.memref_squeeze %dma_start3A_263 : memref<1x50x64xf32, #tpu.memory_space<vmem>> -> memref<50x64xf32, #tpu.memory_space<vmem>>
      %dma_start3A_265 = arith.constant 0 : i32
      %dma_start3A_266 = tpu.memref_slice %arg4[%mul3A_259, %dma_start3A_265] : memref<917504x128xf32, #tpu.memory_space<hbm>> -> memref<50x64xf32, #tpu.memory_space<hbm>>
      %dma_start3A_267 = arith.constant 0 : i32
      %dma_start3A_268 = tpu.memref_slice %arg4[%mul3A_259, %dma_start3A_267] : memref<917504x128xf32, #tpu.memory_space<hbm>> -> memref<50x64xf32, #tpu.memory_space<hbm>>
      %dma_start3A_269 = arith.constant 250 : i32
      %dma_start3A_270 = arith.constant 0 : i32
      %dma_start3A_271 = tpu.memref_slice %arg6[%dma_start3A_260, %dma_start3A_269, %dma_start3A_270] : memref<4x400x64xf32, #tpu.memory_space<vmem>> -> memref<1x50x64xf32, #tpu.memory_space<vmem>>
      %dma_start3A_272 = tpu.memref_squeeze %dma_start3A_271 : memref<1x50x64xf32, #tpu.memory_space<vmem>> -> memref<50x64xf32, #tpu.memory_space<vmem>>
      tpu.enqueue_dma source(%dma_start3A_272 : memref<50x64xf32, #tpu.memory_space<vmem>>) target(%dma_start3A_268 : memref<50x64xf32, #tpu.memory_space<hbm>>) target_semaphore(%arg9 : memref<!tpu.dma_semaphore, #tpu.memory_space<semaphore_mem>>)
      %add3A_273 = arith.constant 0 : i32
      %add3A_274 = arith.addi %add3A_20, %add3A_273 : i32
      %add3A_275 = arith.constant 6 : i32
      %add3A_276 = arith.addi %add3A_274, %add3A_275 : i32
      %mul3A_277 = arith.constant 56 : i32
      %mul3A_278 = arith.muli %add3A_276, %mul3A_277 : i32
      %dma_start3A_279 = arith.constant 0 : i32
      %dma_start3A_280 = arith.constant 300 : i32
      %dma_start3A_281 = arith.constant 0 : i32
      %dma_start3A_282 = tpu.memref_slice %arg6[%dma_start3A_279, %dma_start3A_280, %dma_start3A_281] : memref<4x400x64xf32, #tpu.memory_space<vmem>> -> memref<1x50x64xf32, #tpu.memory_space<vmem>>
      %dma_start3A_283 = tpu.memref_squeeze %dma_start3A_282 : memref<1x50x64xf32, #tpu.memory_space<vmem>> -> memref<50x64xf32, #tpu.memory_space<vmem>>
      %dma_start3A_284 = arith.constant 0 : i32
      %dma_start3A_285 = tpu.memref_slice %arg4[%mul3A_278, %dma_start3A_284] : memref<917504x128xf32, #tpu.memory_space<hbm>> -> memref<50x64xf32, #tpu.memory_space<hbm>>
      %dma_start3A_286 = arith.constant 0 : i32
      %dma_start3A_287 = tpu.memref_slice %arg4[%mul3A_278, %dma_start3A_286] : memref<917504x128xf32, #tpu.memory_space<hbm>> -> memref<50x64xf32, #tpu.memory_space<hbm>>
      %dma_start3A_288 = arith.constant 300 : i32
      %dma_start3A_289 = arith.constant 0 : i32
      %dma_start3A_290 = tpu.memref_slice %arg6[%dma_start3A_279, %dma_start3A_288, %dma_start3A_289] : memref<4x400x64xf32, #tpu.memory_space<vmem>> -> memref<1x50x64xf32, #tpu.memory_space<vmem>>
      %dma_start3A_291 = tpu.memref_squeeze %dma_start3A_290 : memref<1x50x64xf32, #tpu.memory_space<vmem>> -> memref<50x64xf32, #tpu.memory_space<vmem>>
      tpu.enqueue_dma source(%dma_start3A_291 : memref<50x64xf32, #tpu.memory_space<vmem>>) target(%dma_start3A_287 : memref<50x64xf32, #tpu.memory_space<hbm>>) target_semaphore(%arg9 : memref<!tpu.dma_semaphore, #tpu.memory_space<semaphore_mem>>)
      %add3A_292 = arith.constant 0 : i32
      %add3A_293 = arith.addi %add3A_20, %add3A_292 : i32
      %add3A_294 = arith.constant 7 : i32
      %add3A_295 = arith.addi %add3A_293, %add3A_294 : i32
      %mul3A_296 = arith.constant 56 : i32
      %mul3A_297 = arith.muli %add3A_295, %mul3A_296 : i32
      %dma_start3A_298 = arith.constant 0 : i32
      %dma_start3A_299 = arith.constant 350 : i32
      %dma_start3A_300 = arith.constant 0 : i32
      %dma_start3A_301 = tpu.memref_slice %arg6[%dma_start3A_298, %dma_start3A_299, %dma_start3A_300] : memref<4x400x64xf32, #tpu.memory_space<vmem>> -> memref<1x50x64xf32, #tpu.memory_space<vmem>>
      %dma_start3A_302 = tpu.memref_squeeze %dma_start3A_301 : memref<1x50x64xf32, #tpu.memory_space<vmem>> -> memref<50x64xf32, #tpu.memory_space<vmem>>
      %dma_start3A_303 = arith.constant 0 : i32
      %dma_start3A_304 = tpu.memref_slice %arg4[%mul3A_297, %dma_start3A_303] : memref<917504x128xf32, #tpu.memory_space<hbm>> -> memref<50x64xf32, #tpu.memory_space<hbm>>
      %dma_start3A_305 = arith.constant 0 : i32
      %dma_start3A_306 = tpu.memref_slice %arg4[%mul3A_297, %dma_start3A_305] : memref<917504x128xf32, #tpu.memory_space<hbm>> -> memref<50x64xf32, #tpu.memory_space<hbm>>
      %dma_start3A_307 = arith.constant 350 : i32
      %dma_start3A_308 = arith.constant 0 : i32
      %dma_start3A_309 = tpu.memref_slice %arg6[%dma_start3A_298, %dma_start3A_307, %dma_start3A_308] : memref<4x400x64xf32, #tpu.memory_space<vmem>> -> memref<1x50x64xf32, #tpu.memory_space<vmem>>
      %dma_start3A_310 = tpu.memref_squeeze %dma_start3A_309 : memref<1x50x64xf32, #tpu.memory_space<vmem>> -> memref<50x64xf32, #tpu.memory_space<vmem>>
      tpu.enqueue_dma source(%dma_start3A_310 : memref<50x64xf32, #tpu.memory_space<vmem>>) target(%dma_start3A_306 : memref<50x64xf32, #tpu.memory_space<hbm>>) target_semaphore(%arg9 : memref<!tpu.dma_semaphore, #tpu.memory_space<semaphore_mem>>)
      %dma_wait3A_311 = arith.constant 1 : i32
      %dma_wait3A_312 = arith.constant 1 : i32
      %dma_wait3A_313 = arith.constant 0 : i32
      %dma_wait3A_314 = arith.constant 0 : i32
      %dma_wait3A_315 = tpu.memref_slice %arg6[%dma_wait3A_312, %dma_wait3A_313, %dma_wait3A_314] : memref<4x400x64xf32, #tpu.memory_space<vmem>> -> memref<1x400x64xf32, #tpu.memory_space<vmem>>
      %dma_wait3A_316 = tpu.memref_squeeze %dma_wait3A_315 : memref<1x400x64xf32, #tpu.memory_space<vmem>> -> memref<400x64xf32, #tpu.memory_space<vmem>>
      %dma_wait3A_317 = arith.constant 0 : i32
      %dma_wait3A_318 = tpu.memref_slice %arg5[%dma_wait3A_311, %dma_wait3A_317] : memref<4x400xi32, #tpu.memory_space<vmem>> -> memref<1x400xi32, #tpu.memory_space<vmem>>
      %dma_wait3A_319 = tpu.memref_squeeze %dma_wait3A_318 : memref<1x400xi32, #tpu.memory_space<vmem>> -> memref<400xi32, #tpu.memory_space<vmem>>
      %dma_wait3A_320 = arith.constant 0 : i32
      %dma_wait3A_321 = arith.constant 0 : i32
      %dma_wait3A_322 = tpu.memref_slice %arg3[%dma_wait3A_320, %dma_wait3A_321] : memref<1000000x64xf32, #tpu.memory_space<hbm>> -> memref<1000000x64xf32, #tpu.memory_space<hbm>>
      tpu.wait_indirect_dma semaphore(%arg8 : memref<!tpu.dma_semaphore, #tpu.memory_space<semaphore_mem>>) src(%dma_wait3A_322 : memref<1000000x64xf32, #tpu.memory_space<hbm>>) dst(%dma_wait3A_316 : memref<400x64xf32, #tpu.memory_space<vmem>>)
      %add3A_323 = arith.constant 8 : i32
      %add3A_324 = arith.addi %add3A_20, %add3A_323 : i32
      %add3A_325 = arith.constant 0 : i32
      %add3A_326 = arith.addi %add3A_324, %add3A_325 : i32
      %mul3A_327 = arith.constant 56 : i32
      %mul3A_328 = arith.muli %add3A_326, %mul3A_327 : i32
      %dma_start3A_329 = arith.constant 1 : i32
      %dma_start3A_330 = arith.constant 0 : i32
      %dma_start3A_331 = arith.constant 0 : i32
      %dma_start3A_332 = tpu.memref_slice %arg6[%dma_start3A_329, %dma_start3A_330, %dma_start3A_331] : memref<4x400x64xf32, #tpu.memory_space<vmem>> -> memref<1x50x64xf32, #tpu.memory_space<vmem>>
      %dma_start3A_333 = tpu.memref_squeeze %dma_start3A_332 : memref<1x50x64xf32, #tpu.memory_space<vmem>> -> memref<50x64xf32, #tpu.memory_space<vmem>>
      %dma_start3A_334 = arith.constant 0 : i32
      %dma_start3A_335 = tpu.memref_slice %arg4[%mul3A_328, %dma_start3A_334] : memref<917504x128xf32, #tpu.memory_space<hbm>> -> memref<50x64xf32, #tpu.memory_space<hbm>>
      %dma_start3A_336 = arith.constant 0 : i32
      %dma_start3A_337 = tpu.memref_slice %arg4[%mul3A_328, %dma_start3A_336] : memref<917504x128xf32, #tpu.memory_space<hbm>> -> memref<50x64xf32, #tpu.memory_space<hbm>>
      %dma_start3A_338 = arith.constant 0 : i32
      %dma_start3A_339 = arith.constant 0 : i32
      %dma_start3A_340 = tpu.memref_slice %arg6[%dma_start3A_329, %dma_start3A_338, %dma_start3A_339] : memref<4x400x64xf32, #tpu.memory_space<vmem>> -> memref<1x50x64xf32, #tpu.memory_space<vmem>>
      %dma_start3A_341 = tpu.memref_squeeze %dma_start3A_340 : memref<1x50x64xf32, #tpu.memory_space<vmem>> -> memref<50x64xf32, #tpu.memory_space<vmem>>
      tpu.enqueue_dma source(%dma_start3A_341 : memref<50x64xf32, #tpu.memory_space<vmem>>) target(%dma_start3A_337 : memref<50x64xf32, #tpu.memory_space<hbm>>) target_semaphore(%arg9 : memref<!tpu.dma_semaphore, #tpu.memory_space<semaphore_mem>>)
      %add3A_342 = arith.constant 8 : i32
      %add3A_343 = arith.addi %add3A_20, %add3A_342 : i32
      %add3A_344 = arith.constant 1 : i32
      %add3A_345 = arith.addi %add3A_343, %add3A_344 : i32
      %mul3A_346 = arith.constant 56 : i32
      %mul3A_347 = arith.muli %add3A_345, %mul3A_346 : i32
      %dma_start3A_348 = arith.constant 1 : i32
      %dma_start3A_349 = arith.constant 50 : i32
      %dma_start3A_350 = arith.constant 0 : i32
      %dma_start3A_351 = tpu.memref_slice %arg6[%dma_start3A_348, %dma_start3A_349, %dma_start3A_350] : memref<4x400x64xf32, #tpu.memory_space<vmem>> -> memref<1x50x64xf32, #tpu.memory_space<vmem>>
      %dma_start3A_352 = tpu.memref_squeeze %dma_start3A_351 : memref<1x50x64xf32, #tpu.memory_space<vmem>> -> memref<50x64xf32, #tpu.memory_space<vmem>>
      %dma_start3A_353 = arith.constant 0 : i32
      %dma_start3A_354 = tpu.memref_slice %arg4[%mul3A_347, %dma_start3A_353] : memref<917504x128xf32, #tpu.memory_space<hbm>> -> memref<50x64xf32, #tpu.memory_space<hbm>>
      %dma_start3A_355 = arith.constant 0 : i32
      %dma_start3A_356 = tpu.memref_slice %arg4[%mul3A_347, %dma_start3A_355] : memref<917504x128xf32, #tpu.memory_space<hbm>> -> memref<50x64xf32, #tpu.memory_space<hbm>>
      %dma_start3A_357 = arith.constant 50 : i32
      %dma_start3A_358 = arith.constant 0 : i32
      %dma_start3A_359 = tpu.memref_slice %arg6[%dma_start3A_348, %dma_start3A_357, %dma_start3A_358] : memref<4x400x64xf32, #tpu.memory_space<vmem>> -> memref<1x50x64xf32, #tpu.memory_space<vmem>>
      %dma_start3A_360 = tpu.memref_squeeze %dma_start3A_359 : memref<1x50x64xf32, #tpu.memory_space<vmem>> -> memref<50x64xf32, #tpu.memory_space<vmem>>
      tpu.enqueue_dma source(%dma_start3A_360 : memref<50x64xf32, #tpu.memory_space<vmem>>) target(%dma_start3A_356 : memref<50x64xf32, #tpu.memory_space<hbm>>) target_semaphore(%arg9 : memref<!tpu.dma_semaphore, #tpu.memory_space<semaphore_mem>>)
      %add3A_361 = arith.constant 8 : i32
      %add3A_362 = arith.addi %add3A_20, %add3A_361 : i32
      %add3A_363 = arith.constant 2 : i32
      %add3A_364 = arith.addi %add3A_362, %add3A_363 : i32
      %mul3A_365 = arith.constant 56 : i32
      %mul3A_366 = arith.muli %add3A_364, %mul3A_365 : i32
      %dma_start3A_367 = arith.constant 1 : i32
      %dma_start3A_368 = arith.constant 100 : i32
      %dma_start3A_369 = arith.constant 0 : i32
      %dma_start3A_370 = tpu.memref_slice %arg6[%dma_start3A_367, %dma_start3A_368, %dma_start3A_369] : memref<4x400x64xf32, #tpu.memory_space<vmem>> -> memref<1x50x64xf32, #tpu.memory_space<vmem>>
      %dma_start3A_371 = tpu.memref_squeeze %dma_start3A_370 : memref<1x50x64xf32, #tpu.memory_space<vmem>> -> memref<50x64xf32, #tpu.memory_space<vmem>>
      %dma_start3A_372 = arith.constant 0 : i32
      %dma_start3A_373 = tpu.memref_slice %arg4[%mul3A_366, %dma_start3A_372] : memref<917504x128xf32, #tpu.memory_space<hbm>> -> memref<50x64xf32, #tpu.memory_space<hbm>>
      %dma_start3A_374 = arith.constant 0 : i32
      %dma_start3A_375 = tpu.memref_slice %arg4[%mul3A_366, %dma_start3A_374] : memref<917504x128xf32, #tpu.memory_space<hbm>> -> memref<50x64xf32, #tpu.memory_space<hbm>>
      %dma_start3A_376 = arith.constant 100 : i32
      %dma_start3A_377 = arith.constant 0 : i32
      %dma_start3A_378 = tpu.memref_slice %arg6[%dma_start3A_367, %dma_start3A_376, %dma_start3A_377] : memref<4x400x64xf32, #tpu.memory_space<vmem>> -> memref<1x50x64xf32, #tpu.memory_space<vmem>>
      %dma_start3A_379 = tpu.memref_squeeze %dma_start3A_378 : memref<1x50x64xf32, #tpu.memory_space<vmem>> -> memref<50x64xf32, #tpu.memory_space<vmem>>
      tpu.enqueue_dma source(%dma_start3A_379 : memref<50x64xf32, #tpu.memory_space<vmem>>) target(%dma_start3A_375 : memref<50x64xf32, #tpu.memory_space<hbm>>) target_semaphore(%arg9 : memref<!tpu.dma_semaphore, #tpu.memory_space<semaphore_mem>>)
      %add3A_380 = arith.constant 8 : i32
      %add3A_381 = arith.addi %add3A_20, %add3A_380 : i32
      %add3A_382 = arith.constant 3 : i32
      %add3A_383 = arith.addi %add3A_381, %add3A_382 : i32
      %mul3A_384 = arith.constant 56 : i32
      %mul3A_385 = arith.muli %add3A_383, %mul3A_384 : i32
      %dma_start3A_386 = arith.constant 1 : i32
      %dma_start3A_387 = arith.constant 150 : i32
      %dma_start3A_388 = arith.constant 0 : i32
      %dma_start3A_389 = tpu.memref_slice %arg6[%dma_start3A_386, %dma_start3A_387, %dma_start3A_388] : memref<4x400x64xf32, #tpu.memory_space<vmem>> -> memref<1x50x64xf32, #tpu.memory_space<vmem>>
      %dma_start3A_390 = tpu.memref_squeeze %dma_start3A_389 : memref<1x50x64xf32, #tpu.memory_space<vmem>> -> memref<50x64xf32, #tpu.memory_space<vmem>>
      %dma_start3A_391 = arith.constant 0 : i32
      %dma_start3A_392 = tpu.memref_slice %arg4[%mul3A_385, %dma_start3A_391] : memref<917504x128xf32, #tpu.memory_space<hbm>> -> memref<50x64xf32, #tpu.memory_space<hbm>>
      %dma_start3A_393 = arith.constant 0 : i32
      %dma_start3A_394 = tpu.memref_slice %arg4[%mul3A_385, %dma_start3A_393] : memref<917504x128xf32, #tpu.memory_space<hbm>> -> memref<50x64xf32, #tpu.memory_space<hbm>>
      %dma_start3A_395 = arith.constant 150 : i32
      %dma_start3A_396 = arith.constant 0 : i32
      %dma_start3A_397 = tpu.memref_slice %arg6[%dma_start3A_386, %dma_start3A_395, %dma_start3A_396] : memref<4x400x64xf32, #tpu.memory_space<vmem>> -> memref<1x50x64xf32, #tpu.memory_space<vmem>>
      %dma_start3A_398 = tpu.memref_squeeze %dma_start3A_397 : memref<1x50x64xf32, #tpu.memory_space<vmem>> -> memref<50x64xf32, #tpu.memory_space<vmem>>
      tpu.enqueue_dma source(%dma_start3A_398 : memref<50x64xf32, #tpu.memory_space<vmem>>) target(%dma_start3A_394 : memref<50x64xf32, #tpu.memory_space<hbm>>) target_semaphore(%arg9 : memref<!tpu.dma_semaphore, #tpu.memory_space<semaphore_mem>>)
      %add3A_399 = arith.constant 8 : i32
      %add3A_400 = arith.addi %add3A_20, %add3A_399 : i32
      %add3A_401 = arith.constant 4 : i32
      %add3A_402 = arith.addi %add3A_400, %add3A_401 : i32
      %mul3A_403 = arith.constant 56 : i32
      %mul3A_404 = arith.muli %add3A_402, %mul3A_403 : i32
      %dma_start3A_405 = arith.constant 1 : i32
      %dma_start3A_406 = arith.constant 200 : i32
      %dma_start3A_407 = arith.constant 0 : i32
      %dma_start3A_408 = tpu.memref_slice %arg6[%dma_start3A_405, %dma_start3A_406, %dma_start3A_407] : memref<4x400x64xf32, #tpu.memory_space<vmem>> -> memref<1x50x64xf32, #tpu.memory_space<vmem>>
      %dma_start3A_409 = tpu.memref_squeeze %dma_start3A_408 : memref<1x50x64xf32, #tpu.memory_space<vmem>> -> memref<50x64xf32, #tpu.memory_space<vmem>>
      %dma_start3A_410 = arith.constant 0 : i32
      %dma_start3A_411 = tpu.memref_slice %arg4[%mul3A_404, %dma_start3A_410] : memref<917504x128xf32, #tpu.memory_space<hbm>> -> memref<50x64xf32, #tpu.memory_space<hbm>>
      %dma_start3A_412 = arith.constant 0 : i32
      %dma_start3A_413 = tpu.memref_slice %arg4[%mul3A_404, %dma_start3A_412] : memref<917504x128xf32, #tpu.memory_space<hbm>> -> memref<50x64xf32, #tpu.memory_space<hbm>>
      %dma_start3A_414 = arith.constant 200 : i32
      %dma_start3A_415 = arith.constant 0 : i32
      %dma_start3A_416 = tpu.memref_slice %arg6[%dma_start3A_405, %dma_start3A_414, %dma_start3A_415] : memref<4x400x64xf32, #tpu.memory_space<vmem>> -> memref<1x50x64xf32, #tpu.memory_space<vmem>>
      %dma_start3A_417 = tpu.memref_squeeze %dma_start3A_416 : memref<1x50x64xf32, #tpu.memory_space<vmem>> -> memref<50x64xf32, #tpu.memory_space<vmem>>
      tpu.enqueue_dma source(%dma_start3A_417 : memref<50x64xf32, #tpu.memory_space<vmem>>) target(%dma_start3A_413 : memref<50x64xf32, #tpu.memory_space<hbm>>) target_semaphore(%arg9 : memref<!tpu.dma_semaphore, #tpu.memory_space<semaphore_mem>>)
      %add3A_418 = arith.constant 8 : i32
      %add3A_419 = arith.addi %add3A_20, %add3A_418 : i32
      %add3A_420 = arith.constant 5 : i32
      %add3A_421 = arith.addi %add3A_419, %add3A_420 : i32
      %mul3A_422 = arith.constant 56 : i32
      %mul3A_423 = arith.muli %add3A_421, %mul3A_422 : i32
      %dma_start3A_424 = arith.constant 1 : i32
      %dma_start3A_425 = arith.constant 250 : i32
      %dma_start3A_426 = arith.constant 0 : i32
      %dma_start3A_427 = tpu.memref_slice %arg6[%dma_start3A_424, %dma_start3A_425, %dma_start3A_426] : memref<4x400x64xf32, #tpu.memory_space<vmem>> -> memref<1x50x64xf32, #tpu.memory_space<vmem>>
      %dma_start3A_428 = tpu.memref_squeeze %dma_start3A_427 : memref<1x50x64xf32, #tpu.memory_space<vmem>> -> memref<50x64xf32, #tpu.memory_space<vmem>>
      %dma_start3A_429 = arith.constant 0 : i32
      %dma_start3A_430 = tpu.memref_slice %arg4[%mul3A_423, %dma_start3A_429] : memref<917504x128xf32, #tpu.memory_space<hbm>> -> memref<50x64xf32, #tpu.memory_space<hbm>>
      %dma_start3A_431 = arith.constant 0 : i32
      %dma_start3A_432 = tpu.memref_slice %arg4[%mul3A_423, %dma_start3A_431] : memref<917504x128xf32, #tpu.memory_space<hbm>> -> memref<50x64xf32, #tpu.memory_space<hbm>>
      %dma_start3A_433 = arith.constant 250 : i32
      %dma_start3A_434 = arith.constant 0 : i32
      %dma_start3A_435 = tpu.memref_slice %arg6[%dma_start3A_424, %dma_start3A_433, %dma_start3A_434] : memref<4x400x64xf32, #tpu.memory_space<vmem>> -> memref<1x50x64xf32, #tpu.memory_space<vmem>>
      %dma_start3A_436 = tpu.memref_squeeze %dma_start3A_435 : memref<1x50x64xf32, #tpu.memory_space<vmem>> -> memref<50x64xf32, #tpu.memory_space<vmem>>
      tpu.enqueue_dma source(%dma_start3A_436 : memref<50x64xf32, #tpu.memory_space<vmem>>) target(%dma_start3A_432 : memref<50x64xf32, #tpu.memory_space<hbm>>) target_semaphore(%arg9 : memref<!tpu.dma_semaphore, #tpu.memory_space<semaphore_mem>>)
      %add3A_437 = arith.constant 8 : i32
      %add3A_438 = arith.addi %add3A_20, %add3A_437 : i32
      %add3A_439 = arith.constant 6 : i32
      %add3A_440 = arith.addi %add3A_438, %add3A_439 : i32
      %mul3A_441 = arith.constant 56 : i32
      %mul3A_442 = arith.muli %add3A_440, %mul3A_441 : i32
      %dma_start3A_443 = arith.constant 1 : i32
      %dma_start3A_444 = arith.constant 300 : i32
      %dma_start3A_445 = arith.constant 0 : i32
      %dma_start3A_446 = tpu.memref_slice %arg6[%dma_start3A_443, %dma_start3A_444, %dma_start3A_445] : memref<4x400x64xf32, #tpu.memory_space<vmem>> -> memref<1x50x64xf32, #tpu.memory_space<vmem>>
      %dma_start3A_447 = tpu.memref_squeeze %dma_start3A_446 : memref<1x50x64xf32, #tpu.memory_space<vmem>> -> memref<50x64xf32, #tpu.memory_space<vmem>>
      %dma_start3A_448 = arith.constant 0 : i32
      %dma_start3A_449 = tpu.memref_slice %arg4[%mul3A_442, %dma_start3A_448] : memref<917504x128xf32, #tpu.memory_space<hbm>> -> memref<50x64xf32, #tpu.memory_space<hbm>>
      %dma_start3A_450 = arith.constant 0 : i32
      %dma_start3A_451 = tpu.memref_slice %arg4[%mul3A_442, %dma_start3A_450] : memref<917504x128xf32, #tpu.memory_space<hbm>> -> memref<50x64xf32, #tpu.memory_space<hbm>>
      %dma_start3A_452 = arith.constant 300 : i32
      %dma_start3A_453 = arith.constant 0 : i32
      %dma_start3A_454 = tpu.memref_slice %arg6[%dma_start3A_443, %dma_start3A_452, %dma_start3A_453] : memref<4x400x64xf32, #tpu.memory_space<vmem>> -> memref<1x50x64xf32, #tpu.memory_space<vmem>>
      %dma_start3A_455 = tpu.memref_squeeze %dma_start3A_454 : memref<1x50x64xf32, #tpu.memory_space<vmem>> -> memref<50x64xf32, #tpu.memory_space<vmem>>
      tpu.enqueue_dma source(%dma_start3A_455 : memref<50x64xf32, #tpu.memory_space<vmem>>) target(%dma_start3A_451 : memref<50x64xf32, #tpu.memory_space<hbm>>) target_semaphore(%arg9 : memref<!tpu.dma_semaphore, #tpu.memory_space<semaphore_mem>>)
      %add3A_456 = arith.constant 8 : i32
      %add3A_457 = arith.addi %add3A_20, %add3A_456 : i32
      %add3A_458 = arith.constant 7 : i32
      %add3A_459 = arith.addi %add3A_457, %add3A_458 : i32
      %mul3A_460 = arith.constant 56 : i32
      %mul3A_461 = arith.muli %add3A_459, %mul3A_460 : i32
      %dma_start3A_462 = arith.constant 1 : i32
      %dma_start3A_463 = arith.constant 350 : i32
      %dma_start3A_464 = arith.constant 0 : i32
      %dma_start3A_465 = tpu.memref_slice %arg6[%dma_start3A_462, %dma_start3A_463, %dma_start3A_464] : memref<4x400x64xf32, #tpu.memory_space<vmem>> -> memref<1x50x64xf32, #tpu.memory_space<vmem>>
      %dma_start3A_466 = tpu.memref_squeeze %dma_start3A_465 : memref<1x50x64xf32, #tpu.memory_space<vmem>> -> memref<50x64xf32, #tpu.memory_space<vmem>>
      %dma_start3A_467 = arith.constant 0 : i32
      %dma_start3A_468 = tpu.memref_slice %arg4[%mul3A_461, %dma_start3A_467] : memref<917504x128xf32, #tpu.memory_space<hbm>> -> memref<50x64xf32, #tpu.memory_space<hbm>>
      %dma_start3A_469 = arith.constant 0 : i32
      %dma_start3A_470 = tpu.memref_slice %arg4[%mul3A_461, %dma_start3A_469] : memref<917504x128xf32, #tpu.memory_space<hbm>> -> memref<50x64xf32, #tpu.memory_space<hbm>>
      %dma_start3A_471 = arith.constant 350 : i32
      %dma_start3A_472 = arith.constant 0 : i32
      %dma_start3A_473 = tpu.memref_slice %arg6[%dma_start3A_462, %dma_start3A_471, %dma_start3A_472] : memref<4x400x64xf32, #tpu.memory_space<vmem>> -> memref<1x50x64xf32, #tpu.memory_space<vmem>>
      %dma_start3A_474 = tpu.memref_squeeze %dma_start3A_473 : memref<1x50x64xf32, #tpu.memory_space<vmem>> -> memref<50x64xf32, #tpu.memory_space<vmem>>
      tpu.enqueue_dma source(%dma_start3A_474 : memref<50x64xf32, #tpu.memory_space<vmem>>) target(%dma_start3A_470 : memref<50x64xf32, #tpu.memory_space<hbm>>) target_semaphore(%arg9 : memref<!tpu.dma_semaphore, #tpu.memory_space<semaphore_mem>>)
      %dma_wait3A_475 = arith.constant 2 : i32
      %dma_wait3A_476 = arith.constant 2 : i32
      %dma_wait3A_477 = arith.constant 0 : i32
      %dma_wait3A_478 = arith.constant 0 : i32
      %dma_wait3A_479 = tpu.memref_slice %arg6[%dma_wait3A_476, %dma_wait3A_477, %dma_wait3A_478] : memref<4x400x64xf32, #tpu.memory_space<vmem>> -> memref<1x400x64xf32, #tpu.memory_space<vmem>>
      %dma_wait3A_480 = tpu.memref_squeeze %dma_wait3A_479 : memref<1x400x64xf32, #tpu.memory_space<vmem>> -> memref<400x64xf32, #tpu.memory_space<vmem>>
      %dma_wait3A_481 = arith.constant 0 : i32
      %dma_wait3A_482 = tpu.memref_slice %arg5[%dma_wait3A_475, %dma_wait3A_481] : memref<4x400xi32, #tpu.memory_space<vmem>> -> memref<1x400xi32, #tpu.memory_space<vmem>>
      %dma_wait3A_483 = tpu.memref_squeeze %dma_wait3A_482 : memref<1x400xi32, #tpu.memory_space<vmem>> -> memref<400xi32, #tpu.memory_space<vmem>>
      %dma_wait3A_484 = arith.constant 0 : i32
      %dma_wait3A_485 = arith.constant 0 : i32
      %dma_wait3A_486 = tpu.memref_slice %arg3[%dma_wait3A_484, %dma_wait3A_485] : memref<1000000x64xf32, #tpu.memory_space<hbm>> -> memref<1000000x64xf32, #tpu.memory_space<hbm>>
      tpu.wait_indirect_dma semaphore(%arg8 : memref<!tpu.dma_semaphore, #tpu.memory_space<semaphore_mem>>) src(%dma_wait3A_486 : memref<1000000x64xf32, #tpu.memory_space<hbm>>) dst(%dma_wait3A_480 : memref<400x64xf32, #tpu.memory_space<vmem>>)
      %add3A_487 = arith.constant 16 : i32
      %add3A_488 = arith.addi %add3A_20, %add3A_487 : i32
      %add3A_489 = arith.constant 0 : i32
      %add3A_490 = arith.addi %add3A_488, %add3A_489 : i32
      %mul3A_491 = arith.constant 56 : i32
      %mul3A_492 = arith.muli %add3A_490, %mul3A_491 : i32
      %dma_start3A_493 = arith.constant 2 : i32
      %dma_start3A_494 = arith.constant 0 : i32
      %dma_start3A_495 = arith.constant 0 : i32
      %dma_start3A_496 = tpu.memref_slice %arg6[%dma_start3A_493, %dma_start3A_494, %dma_start3A_495] : memref<4x400x64xf32, #tpu.memory_space<vmem>> -> memref<1x50x64xf32, #tpu.memory_space<vmem>>
      %dma_start3A_497 = tpu.memref_squeeze %dma_start3A_496 : memref<1x50x64xf32, #tpu.memory_space<vmem>> -> memref<50x64xf32, #tpu.memory_space<vmem>>
      %dma_start3A_498 = arith.constant 0 : i32
      %dma_start3A_499 = tpu.memref_slice %arg4[%mul3A_492, %dma_start3A_498] : memref<917504x128xf32, #tpu.memory_space<hbm>> -> memref<50x64xf32, #tpu.memory_space<hbm>>
      %dma_start3A_500 = arith.constant 0 : i32
      %dma_start3A_501 = tpu.memref_slice %arg4[%mul3A_492, %dma_start3A_500] : memref<917504x128xf32, #tpu.memory_space<hbm>> -> memref<50x64xf32, #tpu.memory_space<hbm>>
      %dma_start3A_502 = arith.constant 0 : i32
      %dma_start3A_503 = arith.constant 0 : i32
      %dma_start3A_504 = tpu.memref_slice %arg6[%dma_start3A_493, %dma_start3A_502, %dma_start3A_503] : memref<4x400x64xf32, #tpu.memory_space<vmem>> -> memref<1x50x64xf32, #tpu.memory_space<vmem>>
      %dma_start3A_505 = tpu.memref_squeeze %dma_start3A_504 : memref<1x50x64xf32, #tpu.memory_space<vmem>> -> memref<50x64xf32, #tpu.memory_space<vmem>>
      tpu.enqueue_dma source(%dma_start3A_505 : memref<50x64xf32, #tpu.memory_space<vmem>>) target(%dma_start3A_501 : memref<50x64xf32, #tpu.memory_space<hbm>>) target_semaphore(%arg9 : memref<!tpu.dma_semaphore, #tpu.memory_space<semaphore_mem>>)
      %add3A_506 = arith.constant 16 : i32
      %add3A_507 = arith.addi %add3A_20, %add3A_506 : i32
      %add3A_508 = arith.constant 1 : i32
      %add3A_509 = arith.addi %add3A_507, %add3A_508 : i32
      %mul3A_510 = arith.constant 56 : i32
      %mul3A_511 = arith.muli %add3A_509, %mul3A_510 : i32
      %dma_start3A_512 = arith.constant 2 : i32
      %dma_start3A_513 = arith.constant 50 : i32
      %dma_start3A_514 = arith.constant 0 : i32
      %dma_start3A_515 = tpu.memref_slice %arg6[%dma_start3A_512, %dma_start3A_513, %dma_start3A_514] : memref<4x400x64xf32, #tpu.memory_space<vmem>> -> memref<1x50x64xf32, #tpu.memory_space<vmem>>
      %dma_start3A_516 = tpu.memref_squeeze %dma_start3A_515 : memref<1x50x64xf32, #tpu.memory_space<vmem>> -> memref<50x64xf32, #tpu.memory_space<vmem>>
      %dma_start3A_517 = arith.constant 0 : i32
      %dma_start3A_518 = tpu.memref_slice %arg4[%mul3A_511, %dma_start3A_517] : memref<917504x128xf32, #tpu.memory_space<hbm>> -> memref<50x64xf32, #tpu.memory_space<hbm>>
      %dma_start3A_519 = arith.constant 0 : i32
      %dma_start3A_520 = tpu.memref_slice %arg4[%mul3A_511, %dma_start3A_519] : memref<917504x128xf32, #tpu.memory_space<hbm>> -> memref<50x64xf32, #tpu.memory_space<hbm>>
      %dma_start3A_521 = arith.constant 50 : i32
      %dma_start3A_522 = arith.constant 0 : i32
      %dma_start3A_523 = tpu.memref_slice %arg6[%dma_start3A_512, %dma_start3A_521, %dma_start3A_522] : memref<4x400x64xf32, #tpu.memory_space<vmem>> -> memref<1x50x64xf32, #tpu.memory_space<vmem>>
      %dma_start3A_524 = tpu.memref_squeeze %dma_start3A_523 : memref<1x50x64xf32, #tpu.memory_space<vmem>> -> memref<50x64xf32, #tpu.memory_space<vmem>>
      tpu.enqueue_dma source(%dma_start3A_524 : memref<50x64xf32, #tpu.memory_space<vmem>>) target(%dma_start3A_520 : memref<50x64xf32, #tpu.memory_space<hbm>>) target_semaphore(%arg9 : memref<!tpu.dma_semaphore, #tpu.memory_space<semaphore_mem>>)
      %add3A_525 = arith.constant 16 : i32
      %add3A_526 = arith.addi %add3A_20, %add3A_525 : i32
      %add3A_527 = arith.constant 2 : i32
      %add3A_528 = arith.addi %add3A_526, %add3A_527 : i32
      %mul3A_529 = arith.constant 56 : i32
      %mul3A_530 = arith.muli %add3A_528, %mul3A_529 : i32
      %dma_start3A_531 = arith.constant 2 : i32
      %dma_start3A_532 = arith.constant 100 : i32
      %dma_start3A_533 = arith.constant 0 : i32
      %dma_start3A_534 = tpu.memref_slice %arg6[%dma_start3A_531, %dma_start3A_532, %dma_start3A_533] : memref<4x400x64xf32, #tpu.memory_space<vmem>> -> memref<1x50x64xf32, #tpu.memory_space<vmem>>
      %dma_start3A_535 = tpu.memref_squeeze %dma_start3A_534 : memref<1x50x64xf32, #tpu.memory_space<vmem>> -> memref<50x64xf32, #tpu.memory_space<vmem>>
      %dma_start3A_536 = arith.constant 0 : i32
      %dma_start3A_537 = tpu.memref_slice %arg4[%mul3A_530, %dma_start3A_536] : memref<917504x128xf32, #tpu.memory_space<hbm>> -> memref<50x64xf32, #tpu.memory_space<hbm>>
      %dma_start3A_538 = arith.constant 0 : i32
      %dma_start3A_539 = tpu.memref_slice %arg4[%mul3A_530, %dma_start3A_538] : memref<917504x128xf32, #tpu.memory_space<hbm>> -> memref<50x64xf32, #tpu.memory_space<hbm>>
      %dma_start3A_540 = arith.constant 100 : i32
      %dma_start3A_541 = arith.constant 0 : i32
      %dma_start3A_542 = tpu.memref_slice %arg6[%dma_start3A_531, %dma_start3A_540, %dma_start3A_541] : memref<4x400x64xf32, #tpu.memory_space<vmem>> -> memref<1x50x64xf32, #tpu.memory_space<vmem>>
      %dma_start3A_543 = tpu.memref_squeeze %dma_start3A_542 : memref<1x50x64xf32, #tpu.memory_space<vmem>> -> memref<50x64xf32, #tpu.memory_space<vmem>>
      tpu.enqueue_dma source(%dma_start3A_543 : memref<50x64xf32, #tpu.memory_space<vmem>>) target(%dma_start3A_539 : memref<50x64xf32, #tpu.memory_space<hbm>>) target_semaphore(%arg9 : memref<!tpu.dma_semaphore, #tpu.memory_space<semaphore_mem>>)
      %add3A_544 = arith.constant 16 : i32
      %add3A_545 = arith.addi %add3A_20, %add3A_544 : i32
      %add3A_546 = arith.constant 3 : i32
      %add3A_547 = arith.addi %add3A_545, %add3A_546 : i32
      %mul3A_548 = arith.constant 56 : i32
      %mul3A_549 = arith.muli %add3A_547, %mul3A_548 : i32
      %dma_start3A_550 = arith.constant 2 : i32
      %dma_start3A_551 = arith.constant 150 : i32
      %dma_start3A_552 = arith.constant 0 : i32
      %dma_start3A_553 = tpu.memref_slice %arg6[%dma_start3A_550, %dma_start3A_551, %dma_start3A_552] : memref<4x400x64xf32, #tpu.memory_space<vmem>> -> memref<1x50x64xf32, #tpu.memory_space<vmem>>
      %dma_start3A_554 = tpu.memref_squeeze %dma_start3A_553 : memref<1x50x64xf32, #tpu.memory_space<vmem>> -> memref<50x64xf32, #tpu.memory_space<vmem>>
      %dma_start3A_555 = arith.constant 0 : i32
      %dma_start3A_556 = tpu.memref_slice %arg4[%mul3A_549, %dma_start3A_555] : memref<917504x128xf32, #tpu.memory_space<hbm>> -> memref<50x64xf32, #tpu.memory_space<hbm>>
      %dma_start3A_557 = arith.constant 0 : i32
      %dma_start3A_558 = tpu.memref_slice %arg4[%mul3A_549, %dma_start3A_557] : memref<917504x128xf32, #tpu.memory_space<hbm>> -> memref<50x64xf32, #tpu.memory_space<hbm>>
      %dma_start3A_559 = arith.constant 150 : i32
      %dma_start3A_560 = arith.constant 0 : i32
      %dma_start3A_561 = tpu.memref_slice %arg6[%dma_start3A_550, %dma_start3A_559, %dma_start3A_560] : memref<4x400x64xf32, #tpu.memory_space<vmem>> -> memref<1x50x64xf32, #tpu.memory_space<vmem>>
      %dma_start3A_562 = tpu.memref_squeeze %dma_start3A_561 : memref<1x50x64xf32, #tpu.memory_space<vmem>> -> memref<50x64xf32, #tpu.memory_space<vmem>>
      tpu.enqueue_dma source(%dma_start3A_562 : memref<50x64xf32, #tpu.memory_space<vmem>>) target(%dma_start3A_558 : memref<50x64xf32, #tpu.memory_space<hbm>>) target_semaphore(%arg9 : memref<!tpu.dma_semaphore, #tpu.memory_space<semaphore_mem>>)
      %add3A_563 = arith.constant 16 : i32
      %add3A_564 = arith.addi %add3A_20, %add3A_563 : i32
      %add3A_565 = arith.constant 4 : i32
      %add3A_566 = arith.addi %add3A_564, %add3A_565 : i32
      %mul3A_567 = arith.constant 56 : i32
      %mul3A_568 = arith.muli %add3A_566, %mul3A_567 : i32
      %dma_start3A_569 = arith.constant 2 : i32
      %dma_start3A_570 = arith.constant 200 : i32
      %dma_start3A_571 = arith.constant 0 : i32
      %dma_start3A_572 = tpu.memref_slice %arg6[%dma_start3A_569, %dma_start3A_570, %dma_start3A_571] : memref<4x400x64xf32, #tpu.memory_space<vmem>> -> memref<1x50x64xf32, #tpu.memory_space<vmem>>
      %dma_start3A_573 = tpu.memref_squeeze %dma_start3A_572 : memref<1x50x64xf32, #tpu.memory_space<vmem>> -> memref<50x64xf32, #tpu.memory_space<vmem>>
      %dma_start3A_574 = arith.constant 0 : i32
      %dma_start3A_575 = tpu.memref_slice %arg4[%mul3A_568, %dma_start3A_574] : memref<917504x128xf32, #tpu.memory_space<hbm>> -> memref<50x64xf32, #tpu.memory_space<hbm>>
      %dma_start3A_576 = arith.constant 0 : i32
      %dma_start3A_577 = tpu.memref_slice %arg4[%mul3A_568, %dma_start3A_576] : memref<917504x128xf32, #tpu.memory_space<hbm>> -> memref<50x64xf32, #tpu.memory_space<hbm>>
      %dma_start3A_578 = arith.constant 200 : i32
      %dma_start3A_579 = arith.constant 0 : i32
      %dma_start3A_580 = tpu.memref_slice %arg6[%dma_start3A_569, %dma_start3A_578, %dma_start3A_579] : memref<4x400x64xf32, #tpu.memory_space<vmem>> -> memref<1x50x64xf32, #tpu.memory_space<vmem>>
      %dma_start3A_581 = tpu.memref_squeeze %dma_start3A_580 : memref<1x50x64xf32, #tpu.memory_space<vmem>> -> memref<50x64xf32, #tpu.memory_space<vmem>>
      tpu.enqueue_dma source(%dma_start3A_581 : memref<50x64xf32, #tpu.memory_space<vmem>>) target(%dma_start3A_577 : memref<50x64xf32, #tpu.memory_space<hbm>>) target_semaphore(%arg9 : memref<!tpu.dma_semaphore, #tpu.memory_space<semaphore_mem>>)
      %add3A_582 = arith.constant 16 : i32
      %add3A_583 = arith.addi %add3A_20, %add3A_582 : i32
      %add3A_584 = arith.constant 5 : i32
      %add3A_585 = arith.addi %add3A_583, %add3A_584 : i32
      %mul3A_586 = arith.constant 56 : i32
      %mul3A_587 = arith.muli %add3A_585, %mul3A_586 : i32
      %dma_start3A_588 = arith.constant 2 : i32
      %dma_start3A_589 = arith.constant 250 : i32
      %dma_start3A_590 = arith.constant 0 : i32
      %dma_start3A_591 = tpu.memref_slice %arg6[%dma_start3A_588, %dma_start3A_589, %dma_start3A_590] : memref<4x400x64xf32, #tpu.memory_space<vmem>> -> memref<1x50x64xf32, #tpu.memory_space<vmem>>
      %dma_start3A_592 = tpu.memref_squeeze %dma_start3A_591 : memref<1x50x64xf32, #tpu.memory_space<vmem>> -> memref<50x64xf32, #tpu.memory_space<vmem>>
      %dma_start3A_593 = arith.constant 0 : i32
      %dma_start3A_594 = tpu.memref_slice %arg4[%mul3A_587, %dma_start3A_593] : memref<917504x128xf32, #tpu.memory_space<hbm>> -> memref<50x64xf32, #tpu.memory_space<hbm>>
      %dma_start3A_595 = arith.constant 0 : i32
      %dma_start3A_596 = tpu.memref_slice %arg4[%mul3A_587, %dma_start3A_595] : memref<917504x128xf32, #tpu.memory_space<hbm>> -> memref<50x64xf32, #tpu.memory_space<hbm>>
      %dma_start3A_597 = arith.constant 250 : i32
      %dma_start3A_598 = arith.constant 0 : i32
      %dma_start3A_599 = tpu.memref_slice %arg6[%dma_start3A_588, %dma_start3A_597, %dma_start3A_598] : memref<4x400x64xf32, #tpu.memory_space<vmem>> -> memref<1x50x64xf32, #tpu.memory_space<vmem>>
      %dma_start3A_600 = tpu.memref_squeeze %dma_start3A_599 : memref<1x50x64xf32, #tpu.memory_space<vmem>> -> memref<50x64xf32, #tpu.memory_space<vmem>>
      tpu.enqueue_dma source(%dma_start3A_600 : memref<50x64xf32, #tpu.memory_space<vmem>>) target(%dma_start3A_596 : memref<50x64xf32, #tpu.memory_space<hbm>>) target_semaphore(%arg9 : memref<!tpu.dma_semaphore, #tpu.memory_space<semaphore_mem>>)
      %add3A_601 = arith.constant 16 : i32
      %add3A_602 = arith.addi %add3A_20, %add3A_601 : i32
      %add3A_603 = arith.constant 6 : i32
      %add3A_604 = arith.addi %add3A_602, %add3A_603 : i32
      %mul3A_605 = arith.constant 56 : i32
      %mul3A_606 = arith.muli %add3A_604, %mul3A_605 : i32
      %dma_start3A_607 = arith.constant 2 : i32
      %dma_start3A_608 = arith.constant 300 : i32
      %dma_start3A_609 = arith.constant 0 : i32
      %dma_start3A_610 = tpu.memref_slice %arg6[%dma_start3A_607, %dma_start3A_608, %dma_start3A_609] : memref<4x400x64xf32, #tpu.memory_space<vmem>> -> memref<1x50x64xf32, #tpu.memory_space<vmem>>
      %dma_start3A_611 = tpu.memref_squeeze %dma_start3A_610 : memref<1x50x64xf32, #tpu.memory_space<vmem>> -> memref<50x64xf32, #tpu.memory_space<vmem>>
      %dma_start3A_612 = arith.constant 0 : i32
      %dma_start3A_613 = tpu.memref_slice %arg4[%mul3A_606, %dma_start3A_612] : memref<917504x128xf32, #tpu.memory_space<hbm>> -> memref<50x64xf32, #tpu.memory_space<hbm>>
      %dma_start3A_614 = arith.constant 0 : i32
      %dma_start3A_615 = tpu.memref_slice %arg4[%mul3A_606, %dma_start3A_614] : memref<917504x128xf32, #tpu.memory_space<hbm>> -> memref<50x64xf32, #tpu.memory_space<hbm>>
      %dma_start3A_616 = arith.constant 300 : i32
      %dma_start3A_617 = arith.constant 0 : i32
      %dma_start3A_618 = tpu.memref_slice %arg6[%dma_start3A_607, %dma_start3A_616, %dma_start3A_617] : memref<4x400x64xf32, #tpu.memory_space<vmem>> -> memref<1x50x64xf32, #tpu.memory_space<vmem>>
      %dma_start3A_619 = tpu.memref_squeeze %dma_start3A_618 : memref<1x50x64xf32, #tpu.memory_space<vmem>> -> memref<50x64xf32, #tpu.memory_space<vmem>>
      tpu.enqueue_dma source(%dma_start3A_619 : memref<50x64xf32, #tpu.memory_space<vmem>>) target(%dma_start3A_615 : memref<50x64xf32, #tpu.memory_space<hbm>>) target_semaphore(%arg9 : memref<!tpu.dma_semaphore, #tpu.memory_space<semaphore_mem>>)
      %add3A_620 = arith.constant 16 : i32
      %add3A_621 = arith.addi %add3A_20, %add3A_620 : i32
      %add3A_622 = arith.constant 7 : i32
      %add3A_623 = arith.addi %add3A_621, %add3A_622 : i32
      %mul3A_624 = arith.constant 56 : i32
      %mul3A_625 = arith.muli %add3A_623, %mul3A_624 : i32
      %dma_start3A_626 = arith.constant 2 : i32
      %dma_start3A_627 = arith.constant 350 : i32
      %dma_start3A_628 = arith.constant 0 : i32
      %dma_start3A_629 = tpu.memref_slice %arg6[%dma_start3A_626, %dma_start3A_627, %dma_start3A_628] : memref<4x400x64xf32, #tpu.memory_space<vmem>> -> memref<1x50x64xf32, #tpu.memory_space<vmem>>
      %dma_start3A_630 = tpu.memref_squeeze %dma_start3A_629 : memref<1x50x64xf32, #tpu.memory_space<vmem>> -> memref<50x64xf32, #tpu.memory_space<vmem>>
      %dma_start3A_631 = arith.constant 0 : i32
      %dma_start3A_632 = tpu.memref_slice %arg4[%mul3A_625, %dma_start3A_631] : memref<917504x128xf32, #tpu.memory_space<hbm>> -> memref<50x64xf32, #tpu.memory_space<hbm>>
      %dma_start3A_633 = arith.constant 0 : i32
      %dma_start3A_634 = tpu.memref_slice %arg4[%mul3A_625, %dma_start3A_633] : memref<917504x128xf32, #tpu.memory_space<hbm>> -> memref<50x64xf32, #tpu.memory_space<hbm>>
      %dma_start3A_635 = arith.constant 350 : i32
      %dma_start3A_636 = arith.constant 0 : i32
      %dma_start3A_637 = tpu.memref_slice %arg6[%dma_start3A_626, %dma_start3A_635, %dma_start3A_636] : memref<4x400x64xf32, #tpu.memory_space<vmem>> -> memref<1x50x64xf32, #tpu.memory_space<vmem>>
      %dma_start3A_638 = tpu.memref_squeeze %dma_start3A_637 : memref<1x50x64xf32, #tpu.memory_space<vmem>> -> memref<50x64xf32, #tpu.memory_space<vmem>>
      tpu.enqueue_dma source(%dma_start3A_638 : memref<50x64xf32, #tpu.memory_space<vmem>>) target(%dma_start3A_634 : memref<50x64xf32, #tpu.memory_space<hbm>>) target_semaphore(%arg9 : memref<!tpu.dma_semaphore, #tpu.memory_space<semaphore_mem>>)
      %dma_wait3A_639 = arith.constant 3 : i32
      %dma_wait3A_640 = arith.constant 3 : i32
      %dma_wait3A_641 = arith.constant 0 : i32
      %dma_wait3A_642 = arith.constant 0 : i32
      %dma_wait3A_643 = tpu.memref_slice %arg6[%dma_wait3A_640, %dma_wait3A_641, %dma_wait3A_642] : memref<4x400x64xf32, #tpu.memory_space<vmem>> -> memref<1x400x64xf32, #tpu.memory_space<vmem>>
      %dma_wait3A_644 = tpu.memref_squeeze %dma_wait3A_643 : memref<1x400x64xf32, #tpu.memory_space<vmem>> -> memref<400x64xf32, #tpu.memory_space<vmem>>
      %dma_wait3A_645 = arith.constant 0 : i32
      %dma_wait3A_646 = tpu.memref_slice %arg5[%dma_wait3A_639, %dma_wait3A_645] : memref<4x400xi32, #tpu.memory_space<vmem>> -> memref<1x400xi32, #tpu.memory_space<vmem>>
      %dma_wait3A_647 = tpu.memref_squeeze %dma_wait3A_646 : memref<1x400xi32, #tpu.memory_space<vmem>> -> memref<400xi32, #tpu.memory_space<vmem>>
      %dma_wait3A_648 = arith.constant 0 : i32
      %dma_wait3A_649 = arith.constant 0 : i32
      %dma_wait3A_650 = tpu.memref_slice %arg3[%dma_wait3A_648, %dma_wait3A_649] : memref<1000000x64xf32, #tpu.memory_space<hbm>> -> memref<1000000x64xf32, #tpu.memory_space<hbm>>
      tpu.wait_indirect_dma semaphore(%arg8 : memref<!tpu.dma_semaphore, #tpu.memory_space<semaphore_mem>>) src(%dma_wait3A_650 : memref<1000000x64xf32, #tpu.memory_space<hbm>>) dst(%dma_wait3A_644 : memref<400x64xf32, #tpu.memory_space<vmem>>)
      %add3A_651 = arith.constant 24 : i32
      %add3A_652 = arith.addi %add3A_20, %add3A_651 : i32
      %add3A_653 = arith.constant 0 : i32
      %add3A_654 = arith.addi %add3A_652, %add3A_653 : i32
      %mul3A_655 = arith.constant 56 : i32
      %mul3A_656 = arith.muli %add3A_654, %mul3A_655 : i32
      %dma_start3A_657 = arith.constant 3 : i32
      %dma_start3A_658 = arith.constant 0 : i32
      %dma_start3A_659 = arith.constant 0 : i32
      %dma_start3A_660 = tpu.memref_slice %arg6[%dma_start3A_657, %dma_start3A_658, %dma_start3A_659] : memref<4x400x64xf32, #tpu.memory_space<vmem>> -> memref<1x50x64xf32, #tpu.memory_space<vmem>>
      %dma_start3A_661 = tpu.memref_squeeze %dma_start3A_660 : memref<1x50x64xf32, #tpu.memory_space<vmem>> -> memref<50x64xf32, #tpu.memory_space<vmem>>
      %dma_start3A_662 = arith.constant 0 : i32
      %dma_start3A_663 = tpu.memref_slice %arg4[%mul3A_656, %dma_start3A_662] : memref<917504x128xf32, #tpu.memory_space<hbm>> -> memref<50x64xf32, #tpu.memory_space<hbm>>
      %dma_start3A_664 = arith.constant 0 : i32
      %dma_start3A_665 = tpu.memref_slice %arg4[%mul3A_656, %dma_start3A_664] : memref<917504x128xf32, #tpu.memory_space<hbm>> -> memref<50x64xf32, #tpu.memory_space<hbm>>
      %dma_start3A_666 = arith.constant 0 : i32
      %dma_start3A_667 = arith.constant 0 : i32
      %dma_start3A_668 = tpu.memref_slice %arg6[%dma_start3A_657, %dma_start3A_666, %dma_start3A_667] : memref<4x400x64xf32, #tpu.memory_space<vmem>> -> memref<1x50x64xf32, #tpu.memory_space<vmem>>
      %dma_start3A_669 = tpu.memref_squeeze %dma_start3A_668 : memref<1x50x64xf32, #tpu.memory_space<vmem>> -> memref<50x64xf32, #tpu.memory_space<vmem>>
      tpu.enqueue_dma source(%dma_start3A_669 : memref<50x64xf32, #tpu.memory_space<vmem>>) target(%dma_start3A_665 : memref<50x64xf32, #tpu.memory_space<hbm>>) target_semaphore(%arg9 : memref<!tpu.dma_semaphore, #tpu.memory_space<semaphore_mem>>)
      %add3A_670 = arith.constant 24 : i32
      %add3A_671 = arith.addi %add3A_20, %add3A_670 : i32
      %add3A_672 = arith.constant 1 : i32
      %add3A_673 = arith.addi %add3A_671, %add3A_672 : i32
      %mul3A_674 = arith.constant 56 : i32
      %mul3A_675 = arith.muli %add3A_673, %mul3A_674 : i32
      %dma_start3A_676 = arith.constant 3 : i32
      %dma_start3A_677 = arith.constant 50 : i32
      %dma_start3A_678 = arith.constant 0 : i32
      %dma_start3A_679 = tpu.memref_slice %arg6[%dma_start3A_676, %dma_start3A_677, %dma_start3A_678] : memref<4x400x64xf32, #tpu.memory_space<vmem>> -> memref<1x50x64xf32, #tpu.memory_space<vmem>>
      %dma_start3A_680 = tpu.memref_squeeze %dma_start3A_679 : memref<1x50x64xf32, #tpu.memory_space<vmem>> -> memref<50x64xf32, #tpu.memory_space<vmem>>
      %dma_start3A_681 = arith.constant 0 : i32
      %dma_start3A_682 = tpu.memref_slice %arg4[%mul3A_675, %dma_start3A_681] : memref<917504x128xf32, #tpu.memory_space<hbm>> -> memref<50x64xf32, #tpu.memory_space<hbm>>
      %dma_start3A_683 = arith.constant 0 : i32
      %dma_start3A_684 = tpu.memref_slice %arg4[%mul3A_675, %dma_start3A_683] : memref<917504x128xf32, #tpu.memory_space<hbm>> -> memref<50x64xf32, #tpu.memory_space<hbm>>
      %dma_start3A_685 = arith.constant 50 : i32
      %dma_start3A_686 = arith.constant 0 : i32
      %dma_start3A_687 = tpu.memref_slice %arg6[%dma_start3A_676, %dma_start3A_685, %dma_start3A_686] : memref<4x400x64xf32, #tpu.memory_space<vmem>> -> memref<1x50x64xf32, #tpu.memory_space<vmem>>
      %dma_start3A_688 = tpu.memref_squeeze %dma_start3A_687 : memref<1x50x64xf32, #tpu.memory_space<vmem>> -> memref<50x64xf32, #tpu.memory_space<vmem>>
      tpu.enqueue_dma source(%dma_start3A_688 : memref<50x64xf32, #tpu.memory_space<vmem>>) target(%dma_start3A_684 : memref<50x64xf32, #tpu.memory_space<hbm>>) target_semaphore(%arg9 : memref<!tpu.dma_semaphore, #tpu.memory_space<semaphore_mem>>)
      %add3A_689 = arith.constant 24 : i32
      %add3A_690 = arith.addi %add3A_20, %add3A_689 : i32
      %add3A_691 = arith.constant 2 : i32
      %add3A_692 = arith.addi %add3A_690, %add3A_691 : i32
      %mul3A_693 = arith.constant 56 : i32
      %mul3A_694 = arith.muli %add3A_692, %mul3A_693 : i32
      %dma_start3A_695 = arith.constant 3 : i32
      %dma_start3A_696 = arith.constant 100 : i32
      %dma_start3A_697 = arith.constant 0 : i32
      %dma_start3A_698 = tpu.memref_slice %arg6[%dma_start3A_695, %dma_start3A_696, %dma_start3A_697] : memref<4x400x64xf32, #tpu.memory_space<vmem>> -> memref<1x50x64xf32, #tpu.memory_space<vmem>>
      %dma_start3A_699 = tpu.memref_squeeze %dma_start3A_698 : memref<1x50x64xf32, #tpu.memory_space<vmem>> -> memref<50x64xf32, #tpu.memory_space<vmem>>
      %dma_start3A_700 = arith.constant 0 : i32
      %dma_start3A_701 = tpu.memref_slice %arg4[%mul3A_694, %dma_start3A_700] : memref<917504x128xf32, #tpu.memory_space<hbm>> -> memref<50x64xf32, #tpu.memory_space<hbm>>
      %dma_start3A_702 = arith.constant 0 : i32
      %dma_start3A_703 = tpu.memref_slice %arg4[%mul3A_694, %dma_start3A_702] : memref<917504x128xf32, #tpu.memory_space<hbm>> -> memref<50x64xf32, #tpu.memory_space<hbm>>
      %dma_start3A_704 = arith.constant 100 : i32
      %dma_start3A_705 = arith.constant 0 : i32
      %dma_start3A_706 = tpu.memref_slice %arg6[%dma_start3A_695, %dma_start3A_704, %dma_start3A_705] : memref<4x400x64xf32, #tpu.memory_space<vmem>> -> memref<1x50x64xf32, #tpu.memory_space<vmem>>
      %dma_start3A_707 = tpu.memref_squeeze %dma_start3A_706 : memref<1x50x64xf32, #tpu.memory_space<vmem>> -> memref<50x64xf32, #tpu.memory_space<vmem>>
      tpu.enqueue_dma source(%dma_start3A_707 : memref<50x64xf32, #tpu.memory_space<vmem>>) target(%dma_start3A_703 : memref<50x64xf32, #tpu.memory_space<hbm>>) target_semaphore(%arg9 : memref<!tpu.dma_semaphore, #tpu.memory_space<semaphore_mem>>)
      %add3A_708 = arith.constant 24 : i32
      %add3A_709 = arith.addi %add3A_20, %add3A_708 : i32
      %add3A_710 = arith.constant 3 : i32
      %add3A_711 = arith.addi %add3A_709, %add3A_710 : i32
      %mul3A_712 = arith.constant 56 : i32
      %mul3A_713 = arith.muli %add3A_711, %mul3A_712 : i32
      %dma_start3A_714 = arith.constant 3 : i32
      %dma_start3A_715 = arith.constant 150 : i32
      %dma_start3A_716 = arith.constant 0 : i32
      %dma_start3A_717 = tpu.memref_slice %arg6[%dma_start3A_714, %dma_start3A_715, %dma_start3A_716] : memref<4x400x64xf32, #tpu.memory_space<vmem>> -> memref<1x50x64xf32, #tpu.memory_space<vmem>>
      %dma_start3A_718 = tpu.memref_squeeze %dma_start3A_717 : memref<1x50x64xf32, #tpu.memory_space<vmem>> -> memref<50x64xf32, #tpu.memory_space<vmem>>
      %dma_start3A_719 = arith.constant 0 : i32
      %dma_start3A_720 = tpu.memref_slice %arg4[%mul3A_713, %dma_start3A_719] : memref<917504x128xf32, #tpu.memory_space<hbm>> -> memref<50x64xf32, #tpu.memory_space<hbm>>
      %dma_start3A_721 = arith.constant 0 : i32
      %dma_start3A_722 = tpu.memref_slice %arg4[%mul3A_713, %dma_start3A_721] : memref<917504x128xf32, #tpu.memory_space<hbm>> -> memref<50x64xf32, #tpu.memory_space<hbm>>
      %dma_start3A_723 = arith.constant 150 : i32
      %dma_start3A_724 = arith.constant 0 : i32
      %dma_start3A_725 = tpu.memref_slice %arg6[%dma_start3A_714, %dma_start3A_723, %dma_start3A_724] : memref<4x400x64xf32, #tpu.memory_space<vmem>> -> memref<1x50x64xf32, #tpu.memory_space<vmem>>
      %dma_start3A_726 = tpu.memref_squeeze %dma_start3A_725 : memref<1x50x64xf32, #tpu.memory_space<vmem>> -> memref<50x64xf32, #tpu.memory_space<vmem>>
      tpu.enqueue_dma source(%dma_start3A_726 : memref<50x64xf32, #tpu.memory_space<vmem>>) target(%dma_start3A_722 : memref<50x64xf32, #tpu.memory_space<hbm>>) target_semaphore(%arg9 : memref<!tpu.dma_semaphore, #tpu.memory_space<semaphore_mem>>)
      %add3A_727 = arith.constant 24 : i32
      %add3A_728 = arith.addi %add3A_20, %add3A_727 : i32
      %add3A_729 = arith.constant 4 : i32
      %add3A_730 = arith.addi %add3A_728, %add3A_729 : i32
      %mul3A_731 = arith.constant 56 : i32
      %mul3A_732 = arith.muli %add3A_730, %mul3A_731 : i32
      %dma_start3A_733 = arith.constant 3 : i32
      %dma_start3A_734 = arith.constant 200 : i32
      %dma_start3A_735 = arith.constant 0 : i32
      %dma_start3A_736 = tpu.memref_slice %arg6[%dma_start3A_733, %dma_start3A_734, %dma_start3A_735] : memref<4x400x64xf32, #tpu.memory_space<vmem>> -> memref<1x50x64xf32, #tpu.memory_space<vmem>>
      %dma_start3A_737 = tpu.memref_squeeze %dma_start3A_736 : memref<1x50x64xf32, #tpu.memory_space<vmem>> -> memref<50x64xf32, #tpu.memory_space<vmem>>
      %dma_start3A_738 = arith.constant 0 : i32
      %dma_start3A_739 = tpu.memref_slice %arg4[%mul3A_732, %dma_start3A_738] : memref<917504x128xf32, #tpu.memory_space<hbm>> -> memref<50x64xf32, #tpu.memory_space<hbm>>
      %dma_start3A_740 = arith.constant 0 : i32
      %dma_start3A_741 = tpu.memref_slice %arg4[%mul3A_732, %dma_start3A_740] : memref<917504x128xf32, #tpu.memory_space<hbm>> -> memref<50x64xf32, #tpu.memory_space<hbm>>
      %dma_start3A_742 = arith.constant 200 : i32
      %dma_start3A_743 = arith.constant 0 : i32
      %dma_start3A_744 = tpu.memref_slice %arg6[%dma_start3A_733, %dma_start3A_742, %dma_start3A_743] : memref<4x400x64xf32, #tpu.memory_space<vmem>> -> memref<1x50x64xf32, #tpu.memory_space<vmem>>
      %dma_start3A_745 = tpu.memref_squeeze %dma_start3A_744 : memref<1x50x64xf32, #tpu.memory_space<vmem>> -> memref<50x64xf32, #tpu.memory_space<vmem>>
      tpu.enqueue_dma source(%dma_start3A_745 : memref<50x64xf32, #tpu.memory_space<vmem>>) target(%dma_start3A_741 : memref<50x64xf32, #tpu.memory_space<hbm>>) target_semaphore(%arg9 : memref<!tpu.dma_semaphore, #tpu.memory_space<semaphore_mem>>)
      %add3A_746 = arith.constant 24 : i32
      %add3A_747 = arith.addi %add3A_20, %add3A_746 : i32
      %add3A_748 = arith.constant 5 : i32
      %add3A_749 = arith.addi %add3A_747, %add3A_748 : i32
      %mul3A_750 = arith.constant 56 : i32
      %mul3A_751 = arith.muli %add3A_749, %mul3A_750 : i32
      %dma_start3A_752 = arith.constant 3 : i32
      %dma_start3A_753 = arith.constant 250 : i32
      %dma_start3A_754 = arith.constant 0 : i32
      %dma_start3A_755 = tpu.memref_slice %arg6[%dma_start3A_752, %dma_start3A_753, %dma_start3A_754] : memref<4x400x64xf32, #tpu.memory_space<vmem>> -> memref<1x50x64xf32, #tpu.memory_space<vmem>>
      %dma_start3A_756 = tpu.memref_squeeze %dma_start3A_755 : memref<1x50x64xf32, #tpu.memory_space<vmem>> -> memref<50x64xf32, #tpu.memory_space<vmem>>
      %dma_start3A_757 = arith.constant 0 : i32
      %dma_start3A_758 = tpu.memref_slice %arg4[%mul3A_751, %dma_start3A_757] : memref<917504x128xf32, #tpu.memory_space<hbm>> -> memref<50x64xf32, #tpu.memory_space<hbm>>
      %dma_start3A_759 = arith.constant 0 : i32
      %dma_start3A_760 = tpu.memref_slice %arg4[%mul3A_751, %dma_start3A_759] : memref<917504x128xf32, #tpu.memory_space<hbm>> -> memref<50x64xf32, #tpu.memory_space<hbm>>
      %dma_start3A_761 = arith.constant 250 : i32
      %dma_start3A_762 = arith.constant 0 : i32
      %dma_start3A_763 = tpu.memref_slice %arg6[%dma_start3A_752, %dma_start3A_761, %dma_start3A_762] : memref<4x400x64xf32, #tpu.memory_space<vmem>> -> memref<1x50x64xf32, #tpu.memory_space<vmem>>
      %dma_start3A_764 = tpu.memref_squeeze %dma_start3A_763 : memref<1x50x64xf32, #tpu.memory_space<vmem>> -> memref<50x64xf32, #tpu.memory_space<vmem>>
      tpu.enqueue_dma source(%dma_start3A_764 : memref<50x64xf32, #tpu.memory_space<vmem>>) target(%dma_start3A_760 : memref<50x64xf32, #tpu.memory_space<hbm>>) target_semaphore(%arg9 : memref<!tpu.dma_semaphore, #tpu.memory_space<semaphore_mem>>)
      %add3A_765 = arith.constant 24 : i32
      %add3A_766 = arith.addi %add3A_20, %add3A_765 : i32
      %add3A_767 = arith.constant 6 : i32
      %add3A_768 = arith.addi %add3A_766, %add3A_767 : i32
      %mul3A_769 = arith.constant 56 : i32
      %mul3A_770 = arith.muli %add3A_768, %mul3A_769 : i32
      %dma_start3A_771 = arith.constant 3 : i32
      %dma_start3A_772 = arith.constant 300 : i32
      %dma_start3A_773 = arith.constant 0 : i32
      %dma_start3A_774 = tpu.memref_slice %arg6[%dma_start3A_771, %dma_start3A_772, %dma_start3A_773] : memref<4x400x64xf32, #tpu.memory_space<vmem>> -> memref<1x50x64xf32, #tpu.memory_space<vmem>>
      %dma_start3A_775 = tpu.memref_squeeze %dma_start3A_774 : memref<1x50x64xf32, #tpu.memory_space<vmem>> -> memref<50x64xf32, #tpu.memory_space<vmem>>
      %dma_start3A_776 = arith.constant 0 : i32
      %dma_start3A_777 = tpu.memref_slice %arg4[%mul3A_770, %dma_start3A_776] : memref<917504x128xf32, #tpu.memory_space<hbm>> -> memref<50x64xf32, #tpu.memory_space<hbm>>
      %dma_start3A_778 = arith.constant 0 : i32
      %dma_start3A_779 = tpu.memref_slice %arg4[%mul3A_770, %dma_start3A_778] : memref<917504x128xf32, #tpu.memory_space<hbm>> -> memref<50x64xf32, #tpu.memory_space<hbm>>
      %dma_start3A_780 = arith.constant 300 : i32
      %dma_start3A_781 = arith.constant 0 : i32
      %dma_start3A_782 = tpu.memref_slice %arg6[%dma_start3A_771, %dma_start3A_780, %dma_start3A_781] : memref<4x400x64xf32, #tpu.memory_space<vmem>> -> memref<1x50x64xf32, #tpu.memory_space<vmem>>
      %dma_start3A_783 = tpu.memref_squeeze %dma_start3A_782 : memref<1x50x64xf32, #tpu.memory_space<vmem>> -> memref<50x64xf32, #tpu.memory_space<vmem>>
      tpu.enqueue_dma source(%dma_start3A_783 : memref<50x64xf32, #tpu.memory_space<vmem>>) target(%dma_start3A_779 : memref<50x64xf32, #tpu.memory_space<hbm>>) target_semaphore(%arg9 : memref<!tpu.dma_semaphore, #tpu.memory_space<semaphore_mem>>)
      %add3A_784 = arith.constant 24 : i32
      %add3A_785 = arith.addi %add3A_20, %add3A_784 : i32
      %add3A_786 = arith.constant 7 : i32
      %add3A_787 = arith.addi %add3A_785, %add3A_786 : i32
      %mul3A_788 = arith.constant 56 : i32
      %mul3A_789 = arith.muli %add3A_787, %mul3A_788 : i32
      %dma_start3A_790 = arith.constant 3 : i32
      %dma_start3A_791 = arith.constant 350 : i32
      %dma_start3A_792 = arith.constant 0 : i32
      %dma_start3A_793 = tpu.memref_slice %arg6[%dma_start3A_790, %dma_start3A_791, %dma_start3A_792] : memref<4x400x64xf32, #tpu.memory_space<vmem>> -> memref<1x50x64xf32, #tpu.memory_space<vmem>>
      %dma_start3A_794 = tpu.memref_squeeze %dma_start3A_793 : memref<1x50x64xf32, #tpu.memory_space<vmem>> -> memref<50x64xf32, #tpu.memory_space<vmem>>
      %dma_start3A_795 = arith.constant 0 : i32
      %dma_start3A_796 = tpu.memref_slice %arg4[%mul3A_789, %dma_start3A_795] : memref<917504x128xf32, #tpu.memory_space<hbm>> -> memref<50x64xf32, #tpu.memory_space<hbm>>
      %dma_start3A_797 = arith.constant 0 : i32
      %dma_start3A_798 = tpu.memref_slice %arg4[%mul3A_789, %dma_start3A_797] : memref<917504x128xf32, #tpu.memory_space<hbm>> -> memref<50x64xf32, #tpu.memory_space<hbm>>
      %dma_start3A_799 = arith.constant 350 : i32
      %dma_start3A_800 = arith.constant 0 : i32
      %dma_start3A_801 = tpu.memref_slice %arg6[%dma_start3A_790, %dma_start3A_799, %dma_start3A_800] : memref<4x400x64xf32, #tpu.memory_space<vmem>> -> memref<1x50x64xf32, #tpu.memory_space<vmem>>
      %dma_start3A_802 = tpu.memref_squeeze %dma_start3A_801 : memref<1x50x64xf32, #tpu.memory_space<vmem>> -> memref<50x64xf32, #tpu.memory_space<vmem>>
      tpu.enqueue_dma source(%dma_start3A_802 : memref<50x64xf32, #tpu.memory_space<vmem>>) target(%dma_start3A_798 : memref<50x64xf32, #tpu.memory_space<hbm>>) target_semaphore(%arg9 : memref<!tpu.dma_semaphore, #tpu.memory_space<semaphore_mem>>)
      %dma_wait3A_803 = arith.constant 0 : i32
      %dma_wait3A_804 = arith.constant 0 : i32
      %dma_wait3A_805 = arith.constant 0 : i32
      %dma_wait3A_806 = tpu.memref_slice %arg6[%dma_wait3A_803, %dma_wait3A_804, %dma_wait3A_805] : memref<4x400x64xf32, #tpu.memory_space<vmem>> -> memref<1x50x64xf32, #tpu.memory_space<vmem>>
      %dma_wait3A_807 = tpu.memref_squeeze %dma_wait3A_806 : memref<1x50x64xf32, #tpu.memory_space<vmem>> -> memref<50x64xf32, #tpu.memory_space<vmem>>
      %dma_wait3A_808 = arith.constant 0 : i32
      %dma_wait3A_809 = tpu.memref_slice %arg4[%mul3A_164, %dma_wait3A_808] : memref<917504x128xf32, #tpu.memory_space<hbm>> -> memref<50x64xf32, #tpu.memory_space<hbm>>
      %dma_wait3A_810 = arith.constant 0 : i32
      %dma_wait3A_811 = tpu.memref_slice %arg4[%mul3A_164, %dma_wait3A_810] : memref<917504x128xf32, #tpu.memory_space<hbm>> -> memref<50x64xf32, #tpu.memory_space<hbm>>
      %dma_wait3A_812 = arith.constant 0 : i32
      %dma_wait3A_813 = arith.constant 0 : i32
      %dma_wait3A_814 = tpu.memref_slice %arg6[%dma_wait3A_803, %dma_wait3A_812, %dma_wait3A_813] : memref<4x400x64xf32, #tpu.memory_space<vmem>> -> memref<1x50x64xf32, #tpu.memory_space<vmem>>
      %dma_wait3A_815 = tpu.memref_squeeze %dma_wait3A_814 : memref<1x50x64xf32, #tpu.memory_space<vmem>> -> memref<50x64xf32, #tpu.memory_space<vmem>>
      tpu.wait_dma2 semaphore(%arg9 : memref<!tpu.dma_semaphore, #tpu.memory_space<semaphore_mem>>) src(%dma_wait3A_815 : memref<50x64xf32, #tpu.memory_space<vmem>>) dst(%dma_wait3A_811 : memref<50x64xf32, #tpu.memory_space<hbm>>)
      %dma_wait3A_816 = arith.constant 0 : i32
      %dma_wait3A_817 = arith.constant 50 : i32
      %dma_wait3A_818 = arith.constant 0 : i32
      %dma_wait3A_819 = tpu.memref_slice %arg6[%dma_wait3A_816, %dma_wait3A_817, %dma_wait3A_818] : memref<4x400x64xf32, #tpu.memory_space<vmem>> -> memref<1x50x64xf32, #tpu.memory_space<vmem>>
      %dma_wait3A_820 = tpu.memref_squeeze %dma_wait3A_819 : memref<1x50x64xf32, #tpu.memory_space<vmem>> -> memref<50x64xf32, #tpu.memory_space<vmem>>
      %dma_wait3A_821 = arith.constant 0 : i32
      %dma_wait3A_822 = tpu.memref_slice %arg4[%mul3A_183, %dma_wait3A_821] : memref<917504x128xf32, #tpu.memory_space<hbm>> -> memref<50x64xf32, #tpu.memory_space<hbm>>
      %dma_wait3A_823 = arith.constant 0 : i32
      %dma_wait3A_824 = tpu.memref_slice %arg4[%mul3A_183, %dma_wait3A_823] : memref<917504x128xf32, #tpu.memory_space<hbm>> -> memref<50x64xf32, #tpu.memory_space<hbm>>
      %dma_wait3A_825 = arith.constant 50 : i32
      %dma_wait3A_826 = arith.constant 0 : i32
      %dma_wait3A_827 = tpu.memref_slice %arg6[%dma_wait3A_816, %dma_wait3A_825, %dma_wait3A_826] : memref<4x400x64xf32, #tpu.memory_space<vmem>> -> memref<1x50x64xf32, #tpu.memory_space<vmem>>
      %dma_wait3A_828 = tpu.memref_squeeze %dma_wait3A_827 : memref<1x50x64xf32, #tpu.memory_space<vmem>> -> memref<50x64xf32, #tpu.memory_space<vmem>>
      tpu.wait_dma2 semaphore(%arg9 : memref<!tpu.dma_semaphore, #tpu.memory_space<semaphore_mem>>) src(%dma_wait3A_828 : memref<50x64xf32, #tpu.memory_space<vmem>>) dst(%dma_wait3A_824 : memref<50x64xf32, #tpu.memory_space<hbm>>)
      %dma_wait3A_829 = arith.constant 0 : i32
      %dma_wait3A_830 = arith.constant 100 : i32
      %dma_wait3A_831 = arith.constant 0 : i32
      %dma_wait3A_832 = tpu.memref_slice %arg6[%dma_wait3A_829, %dma_wait3A_830, %dma_wait3A_831] : memref<4x400x64xf32, #tpu.memory_space<vmem>> -> memref<1x50x64xf32, #tpu.memory_space<vmem>>
      %dma_wait3A_833 = tpu.memref_squeeze %dma_wait3A_832 : memref<1x50x64xf32, #tpu.memory_space<vmem>> -> memref<50x64xf32, #tpu.memory_space<vmem>>
      %dma_wait3A_834 = arith.constant 0 : i32
      %dma_wait3A_835 = tpu.memref_slice %arg4[%mul3A_202, %dma_wait3A_834] : memref<917504x128xf32, #tpu.memory_space<hbm>> -> memref<50x64xf32, #tpu.memory_space<hbm>>
      %dma_wait3A_836 = arith.constant 0 : i32
      %dma_wait3A_837 = tpu.memref_slice %arg4[%mul3A_202, %dma_wait3A_836] : memref<917504x128xf32, #tpu.memory_space<hbm>> -> memref<50x64xf32, #tpu.memory_space<hbm>>
      %dma_wait3A_838 = arith.constant 100 : i32
      %dma_wait3A_839 = arith.constant 0 : i32
      %dma_wait3A_840 = tpu.memref_slice %arg6[%dma_wait3A_829, %dma_wait3A_838, %dma_wait3A_839] : memref<4x400x64xf32, #tpu.memory_space<vmem>> -> memref<1x50x64xf32, #tpu.memory_space<vmem>>
      %dma_wait3A_841 = tpu.memref_squeeze %dma_wait3A_840 : memref<1x50x64xf32, #tpu.memory_space<vmem>> -> memref<50x64xf32, #tpu.memory_space<vmem>>
      tpu.wait_dma2 semaphore(%arg9 : memref<!tpu.dma_semaphore, #tpu.memory_space<semaphore_mem>>) src(%dma_wait3A_841 : memref<50x64xf32, #tpu.memory_space<vmem>>) dst(%dma_wait3A_837 : memref<50x64xf32, #tpu.memory_space<hbm>>)
      %dma_wait3A_842 = arith.constant 0 : i32
      %dma_wait3A_843 = arith.constant 150 : i32
      %dma_wait3A_844 = arith.constant 0 : i32
      %dma_wait3A_845 = tpu.memref_slice %arg6[%dma_wait3A_842, %dma_wait3A_843, %dma_wait3A_844] : memref<4x400x64xf32, #tpu.memory_space<vmem>> -> memref<1x50x64xf32, #tpu.memory_space<vmem>>
      %dma_wait3A_846 = tpu.memref_squeeze %dma_wait3A_845 : memref<1x50x64xf32, #tpu.memory_space<vmem>> -> memref<50x64xf32, #tpu.memory_space<vmem>>
      %dma_wait3A_847 = arith.constant 0 : i32
      %dma_wait3A_848 = tpu.memref_slice %arg4[%mul3A_221, %dma_wait3A_847] : memref<917504x128xf32, #tpu.memory_space<hbm>> -> memref<50x64xf32, #tpu.memory_space<hbm>>
      %dma_wait3A_849 = arith.constant 0 : i32
      %dma_wait3A_850 = tpu.memref_slice %arg4[%mul3A_221, %dma_wait3A_849] : memref<917504x128xf32, #tpu.memory_space<hbm>> -> memref<50x64xf32, #tpu.memory_space<hbm>>
      %dma_wait3A_851 = arith.constant 150 : i32
      %dma_wait3A_852 = arith.constant 0 : i32
      %dma_wait3A_853 = tpu.memref_slice %arg6[%dma_wait3A_842, %dma_wait3A_851, %dma_wait3A_852] : memref<4x400x64xf32, #tpu.memory_space<vmem>> -> memref<1x50x64xf32, #tpu.memory_space<vmem>>
      %dma_wait3A_854 = tpu.memref_squeeze %dma_wait3A_853 : memref<1x50x64xf32, #tpu.memory_space<vmem>> -> memref<50x64xf32, #tpu.memory_space<vmem>>
      tpu.wait_dma2 semaphore(%arg9 : memref<!tpu.dma_semaphore, #tpu.memory_space<semaphore_mem>>) src(%dma_wait3A_854 : memref<50x64xf32, #tpu.memory_space<vmem>>) dst(%dma_wait3A_850 : memref<50x64xf32, #tpu.memory_space<hbm>>)
      %dma_wait3A_855 = arith.constant 0 : i32
      %dma_wait3A_856 = arith.constant 200 : i32
      %dma_wait3A_857 = arith.constant 0 : i32
      %dma_wait3A_858 = tpu.memref_slice %arg6[%dma_wait3A_855, %dma_wait3A_856, %dma_wait3A_857] : memref<4x400x64xf32, #tpu.memory_space<vmem>> -> memref<1x50x64xf32, #tpu.memory_space<vmem>>
      %dma_wait3A_859 = tpu.memref_squeeze %dma_wait3A_858 : memref<1x50x64xf32, #tpu.memory_space<vmem>> -> memref<50x64xf32, #tpu.memory_space<vmem>>
      %dma_wait3A_860 = arith.constant 0 : i32
      %dma_wait3A_861 = tpu.memref_slice %arg4[%mul3A_240, %dma_wait3A_860] : memref<917504x128xf32, #tpu.memory_space<hbm>> -> memref<50x64xf32, #tpu.memory_space<hbm>>
      %dma_wait3A_862 = arith.constant 0 : i32
      %dma_wait3A_863 = tpu.memref_slice %arg4[%mul3A_240, %dma_wait3A_862] : memref<917504x128xf32, #tpu.memory_space<hbm>> -> memref<50x64xf32, #tpu.memory_space<hbm>>
      %dma_wait3A_864 = arith.constant 200 : i32
      %dma_wait3A_865 = arith.constant 0 : i32
      %dma_wait3A_866 = tpu.memref_slice %arg6[%dma_wait3A_855, %dma_wait3A_864, %dma_wait3A_865] : memref<4x400x64xf32, #tpu.memory_space<vmem>> -> memref<1x50x64xf32, #tpu.memory_space<vmem>>
      %dma_wait3A_867 = tpu.memref_squeeze %dma_wait3A_866 : memref<1x50x64xf32, #tpu.memory_space<vmem>> -> memref<50x64xf32, #tpu.memory_space<vmem>>
      tpu.wait_dma2 semaphore(%arg9 : memref<!tpu.dma_semaphore, #tpu.memory_space<semaphore_mem>>) src(%dma_wait3A_867 : memref<50x64xf32, #tpu.memory_space<vmem>>) dst(%dma_wait3A_863 : memref<50x64xf32, #tpu.memory_space<hbm>>)
      %dma_wait3A_868 = arith.constant 0 : i32
      %dma_wait3A_869 = arith.constant 250 : i32
      %dma_wait3A_870 = arith.constant 0 : i32
      %dma_wait3A_871 = tpu.memref_slice %arg6[%dma_wait3A_868, %dma_wait3A_869, %dma_wait3A_870] : memref<4x400x64xf32, #tpu.memory_space<vmem>> -> memref<1x50x64xf32, #tpu.memory_space<vmem>>
      %dma_wait3A_872 = tpu.memref_squeeze %dma_wait3A_871 : memref<1x50x64xf32, #tpu.memory_space<vmem>> -> memref<50x64xf32, #tpu.memory_space<vmem>>
      %dma_wait3A_873 = arith.constant 0 : i32
      %dma_wait3A_874 = tpu.memref_slice %arg4[%mul3A_259, %dma_wait3A_873] : memref<917504x128xf32, #tpu.memory_space<hbm>> -> memref<50x64xf32, #tpu.memory_space<hbm>>
      %dma_wait3A_875 = arith.constant 0 : i32
      %dma_wait3A_876 = tpu.memref_slice %arg4[%mul3A_259, %dma_wait3A_875] : memref<917504x128xf32, #tpu.memory_space<hbm>> -> memref<50x64xf32, #tpu.memory_space<hbm>>
      %dma_wait3A_877 = arith.constant 250 : i32
      %dma_wait3A_878 = arith.constant 0 : i32
      %dma_wait3A_879 = tpu.memref_slice %arg6[%dma_wait3A_868, %dma_wait3A_877, %dma_wait3A_878] : memref<4x400x64xf32, #tpu.memory_space<vmem>> -> memref<1x50x64xf32, #tpu.memory_space<vmem>>
      %dma_wait3A_880 = tpu.memref_squeeze %dma_wait3A_879 : memref<1x50x64xf32, #tpu.memory_space<vmem>> -> memref<50x64xf32, #tpu.memory_space<vmem>>
      tpu.wait_dma2 semaphore(%arg9 : memref<!tpu.dma_semaphore, #tpu.memory_space<semaphore_mem>>) src(%dma_wait3A_880 : memref<50x64xf32, #tpu.memory_space<vmem>>) dst(%dma_wait3A_876 : memref<50x64xf32, #tpu.memory_space<hbm>>)
      %dma_wait3A_881 = arith.constant 0 : i32
      %dma_wait3A_882 = arith.constant 300 : i32
      %dma_wait3A_883 = arith.constant 0 : i32
      %dma_wait3A_884 = tpu.memref_slice %arg6[%dma_wait3A_881, %dma_wait3A_882, %dma_wait3A_883] : memref<4x400x64xf32, #tpu.memory_space<vmem>> -> memref<1x50x64xf32, #tpu.memory_space<vmem>>
      %dma_wait3A_885 = tpu.memref_squeeze %dma_wait3A_884 : memref<1x50x64xf32, #tpu.memory_space<vmem>> -> memref<50x64xf32, #tpu.memory_space<vmem>>
      %dma_wait3A_886 = arith.constant 0 : i32
      %dma_wait3A_887 = tpu.memref_slice %arg4[%mul3A_278, %dma_wait3A_886] : memref<917504x128xf32, #tpu.memory_space<hbm>> -> memref<50x64xf32, #tpu.memory_space<hbm>>
      %dma_wait3A_888 = arith.constant 0 : i32
      %dma_wait3A_889 = tpu.memref_slice %arg4[%mul3A_278, %dma_wait3A_888] : memref<917504x128xf32, #tpu.memory_space<hbm>> -> memref<50x64xf32, #tpu.memory_space<hbm>>
      %dma_wait3A_890 = arith.constant 300 : i32
      %dma_wait3A_891 = arith.constant 0 : i32
      %dma_wait3A_892 = tpu.memref_slice %arg6[%dma_wait3A_881, %dma_wait3A_890, %dma_wait3A_891] : memref<4x400x64xf32, #tpu.memory_space<vmem>> -> memref<1x50x64xf32, #tpu.memory_space<vmem>>
      %dma_wait3A_893 = tpu.memref_squeeze %dma_wait3A_892 : memref<1x50x64xf32, #tpu.memory_space<vmem>> -> memref<50x64xf32, #tpu.memory_space<vmem>>
      tpu.wait_dma2 semaphore(%arg9 : memref<!tpu.dma_semaphore, #tpu.memory_space<semaphore_mem>>) src(%dma_wait3A_893 : memref<50x64xf32, #tpu.memory_space<vmem>>) dst(%dma_wait3A_889 : memref<50x64xf32, #tpu.memory_space<hbm>>)
      %dma_wait3A_894 = arith.constant 0 : i32
      %dma_wait3A_895 = arith.constant 350 : i32
      %dma_wait3A_896 = arith.constant 0 : i32
      %dma_wait3A_897 = tpu.memref_slice %arg6[%dma_wait3A_894, %dma_wait3A_895, %dma_wait3A_896] : memref<4x400x64xf32, #tpu.memory_space<vmem>> -> memref<1x50x64xf32, #tpu.memory_space<vmem>>
      %dma_wait3A_898 = tpu.memref_squeeze %dma_wait3A_897 : memref<1x50x64xf32, #tpu.memory_space<vmem>> -> memref<50x64xf32, #tpu.memory_space<vmem>>
      %dma_wait3A_899 = arith.constant 0 : i32
      %dma_wait3A_900 = tpu.memref_slice %arg4[%mul3A_297, %dma_wait3A_899] : memref<917504x128xf32, #tpu.memory_space<hbm>> -> memref<50x64xf32, #tpu.memory_space<hbm>>
      %dma_wait3A_901 = arith.constant 0 : i32
      %dma_wait3A_902 = tpu.memref_slice %arg4[%mul3A_297, %dma_wait3A_901] : memref<917504x128xf32, #tpu.memory_space<hbm>> -> memref<50x64xf32, #tpu.memory_space<hbm>>
      %dma_wait3A_903 = arith.constant 350 : i32
      %dma_wait3A_904 = arith.constant 0 : i32
      %dma_wait3A_905 = tpu.memref_slice %arg6[%dma_wait3A_894, %dma_wait3A_903, %dma_wait3A_904] : memref<4x400x64xf32, #tpu.memory_space<vmem>> -> memref<1x50x64xf32, #tpu.memory_space<vmem>>
      %dma_wait3A_906 = tpu.memref_squeeze %dma_wait3A_905 : memref<1x50x64xf32, #tpu.memory_space<vmem>> -> memref<50x64xf32, #tpu.memory_space<vmem>>
      tpu.wait_dma2 semaphore(%arg9 : memref<!tpu.dma_semaphore, #tpu.memory_space<semaphore_mem>>) src(%dma_wait3A_906 : memref<50x64xf32, #tpu.memory_space<vmem>>) dst(%dma_wait3A_902 : memref<50x64xf32, #tpu.memory_space<hbm>>)
      %dma_wait3A_907 = arith.constant 1 : i32
      %dma_wait3A_908 = arith.constant 0 : i32
      %dma_wait3A_909 = arith.constant 0 : i32
      %dma_wait3A_910 = tpu.memref_slice %arg6[%dma_wait3A_907, %dma_wait3A_908, %dma_wait3A_909] : memref<4x400x64xf32, #tpu.memory_space<vmem>> -> memref<1x50x64xf32, #tpu.memory_space<vmem>>
      %dma_wait3A_911 = tpu.memref_squeeze %dma_wait3A_910 : memref<1x50x64xf32, #tpu.memory_space<vmem>> -> memref<50x64xf32, #tpu.memory_space<vmem>>
      %dma_wait3A_912 = arith.constant 0 : i32
      %dma_wait3A_913 = tpu.memref_slice %arg4[%mul3A_328, %dma_wait3A_912] : memref<917504x128xf32, #tpu.memory_space<hbm>> -> memref<50x64xf32, #tpu.memory_space<hbm>>
      %dma_wait3A_914 = arith.constant 0 : i32
      %dma_wait3A_915 = tpu.memref_slice %arg4[%mul3A_328, %dma_wait3A_914] : memref<917504x128xf32, #tpu.memory_space<hbm>> -> memref<50x64xf32, #tpu.memory_space<hbm>>
      %dma_wait3A_916 = arith.constant 0 : i32
      %dma_wait3A_917 = arith.constant 0 : i32
      %dma_wait3A_918 = tpu.memref_slice %arg6[%dma_wait3A_907, %dma_wait3A_916, %dma_wait3A_917] : memref<4x400x64xf32, #tpu.memory_space<vmem>> -> memref<1x50x64xf32, #tpu.memory_space<vmem>>
      %dma_wait3A_919 = tpu.memref_squeeze %dma_wait3A_918 : memref<1x50x64xf32, #tpu.memory_space<vmem>> -> memref<50x64xf32, #tpu.memory_space<vmem>>
      tpu.wait_dma2 semaphore(%arg9 : memref<!tpu.dma_semaphore, #tpu.memory_space<semaphore_mem>>) src(%dma_wait3A_919 : memref<50x64xf32, #tpu.memory_space<vmem>>) dst(%dma_wait3A_915 : memref<50x64xf32, #tpu.memory_space<hbm>>)
      %dma_wait3A_920 = arith.constant 1 : i32
      %dma_wait3A_921 = arith.constant 50 : i32
      %dma_wait3A_922 = arith.constant 0 : i32
      %dma_wait3A_923 = tpu.memref_slice %arg6[%dma_wait3A_920, %dma_wait3A_921, %dma_wait3A_922] : memref<4x400x64xf32, #tpu.memory_space<vmem>> -> memref<1x50x64xf32, #tpu.memory_space<vmem>>
      %dma_wait3A_924 = tpu.memref_squeeze %dma_wait3A_923 : memref<1x50x64xf32, #tpu.memory_space<vmem>> -> memref<50x64xf32, #tpu.memory_space<vmem>>
      %dma_wait3A_925 = arith.constant 0 : i32
      %dma_wait3A_926 = tpu.memref_slice %arg4[%mul3A_347, %dma_wait3A_925] : memref<917504x128xf32, #tpu.memory_space<hbm>> -> memref<50x64xf32, #tpu.memory_space<hbm>>
      %dma_wait3A_927 = arith.constant 0 : i32
      %dma_wait3A_928 = tpu.memref_slice %arg4[%mul3A_347, %dma_wait3A_927] : memref<917504x128xf32, #tpu.memory_space<hbm>> -> memref<50x64xf32, #tpu.memory_space<hbm>>
      %dma_wait3A_929 = arith.constant 50 : i32
      %dma_wait3A_930 = arith.constant 0 : i32
      %dma_wait3A_931 = tpu.memref_slice %arg6[%dma_wait3A_920, %dma_wait3A_929, %dma_wait3A_930] : memref<4x400x64xf32, #tpu.memory_space<vmem>> -> memref<1x50x64xf32, #tpu.memory_space<vmem>>
      %dma_wait3A_932 = tpu.memref_squeeze %dma_wait3A_931 : memref<1x50x64xf32, #tpu.memory_space<vmem>> -> memref<50x64xf32, #tpu.memory_space<vmem>>
      tpu.wait_dma2 semaphore(%arg9 : memref<!tpu.dma_semaphore, #tpu.memory_space<semaphore_mem>>) src(%dma_wait3A_932 : memref<50x64xf32, #tpu.memory_space<vmem>>) dst(%dma_wait3A_928 : memref<50x64xf32, #tpu.memory_space<hbm>>)
      %dma_wait3A_933 = arith.constant 1 : i32
      %dma_wait3A_934 = arith.constant 100 : i32
      %dma_wait3A_935 = arith.constant 0 : i32
      %dma_wait3A_936 = tpu.memref_slice %arg6[%dma_wait3A_933, %dma_wait3A_934, %dma_wait3A_935] : memref<4x400x64xf32, #tpu.memory_space<vmem>> -> memref<1x50x64xf32, #tpu.memory_space<vmem>>
      %dma_wait3A_937 = tpu.memref_squeeze %dma_wait3A_936 : memref<1x50x64xf32, #tpu.memory_space<vmem>> -> memref<50x64xf32, #tpu.memory_space<vmem>>
      %dma_wait3A_938 = arith.constant 0 : i32
      %dma_wait3A_939 = tpu.memref_slice %arg4[%mul3A_366, %dma_wait3A_938] : memref<917504x128xf32, #tpu.memory_space<hbm>> -> memref<50x64xf32, #tpu.memory_space<hbm>>
      %dma_wait3A_940 = arith.constant 0 : i32
      %dma_wait3A_941 = tpu.memref_slice %arg4[%mul3A_366, %dma_wait3A_940] : memref<917504x128xf32, #tpu.memory_space<hbm>> -> memref<50x64xf32, #tpu.memory_space<hbm>>
      %dma_wait3A_942 = arith.constant 100 : i32
      %dma_wait3A_943 = arith.constant 0 : i32
      %dma_wait3A_944 = tpu.memref_slice %arg6[%dma_wait3A_933, %dma_wait3A_942, %dma_wait3A_943] : memref<4x400x64xf32, #tpu.memory_space<vmem>> -> memref<1x50x64xf32, #tpu.memory_space<vmem>>
      %dma_wait3A_945 = tpu.memref_squeeze %dma_wait3A_944 : memref<1x50x64xf32, #tpu.memory_space<vmem>> -> memref<50x64xf32, #tpu.memory_space<vmem>>
      tpu.wait_dma2 semaphore(%arg9 : memref<!tpu.dma_semaphore, #tpu.memory_space<semaphore_mem>>) src(%dma_wait3A_945 : memref<50x64xf32, #tpu.memory_space<vmem>>) dst(%dma_wait3A_941 : memref<50x64xf32, #tpu.memory_space<hbm>>)
      %dma_wait3A_946 = arith.constant 1 : i32
      %dma_wait3A_947 = arith.constant 150 : i32
      %dma_wait3A_948 = arith.constant 0 : i32
      %dma_wait3A_949 = tpu.memref_slice %arg6[%dma_wait3A_946, %dma_wait3A_947, %dma_wait3A_948] : memref<4x400x64xf32, #tpu.memory_space<vmem>> -> memref<1x50x64xf32, #tpu.memory_space<vmem>>
      %dma_wait3A_950 = tpu.memref_squeeze %dma_wait3A_949 : memref<1x50x64xf32, #tpu.memory_space<vmem>> -> memref<50x64xf32, #tpu.memory_space<vmem>>
      %dma_wait3A_951 = arith.constant 0 : i32
      %dma_wait3A_952 = tpu.memref_slice %arg4[%mul3A_385, %dma_wait3A_951] : memref<917504x128xf32, #tpu.memory_space<hbm>> -> memref<50x64xf32, #tpu.memory_space<hbm>>
      %dma_wait3A_953 = arith.constant 0 : i32
      %dma_wait3A_954 = tpu.memref_slice %arg4[%mul3A_385, %dma_wait3A_953] : memref<917504x128xf32, #tpu.memory_space<hbm>> -> memref<50x64xf32, #tpu.memory_space<hbm>>
      %dma_wait3A_955 = arith.constant 150 : i32
      %dma_wait3A_956 = arith.constant 0 : i32
      %dma_wait3A_957 = tpu.memref_slice %arg6[%dma_wait3A_946, %dma_wait3A_955, %dma_wait3A_956] : memref<4x400x64xf32, #tpu.memory_space<vmem>> -> memref<1x50x64xf32, #tpu.memory_space<vmem>>
      %dma_wait3A_958 = tpu.memref_squeeze %dma_wait3A_957 : memref<1x50x64xf32, #tpu.memory_space<vmem>> -> memref<50x64xf32, #tpu.memory_space<vmem>>
      tpu.wait_dma2 semaphore(%arg9 : memref<!tpu.dma_semaphore, #tpu.memory_space<semaphore_mem>>) src(%dma_wait3A_958 : memref<50x64xf32, #tpu.memory_space<vmem>>) dst(%dma_wait3A_954 : memref<50x64xf32, #tpu.memory_space<hbm>>)
      %dma_wait3A_959 = arith.constant 1 : i32
      %dma_wait3A_960 = arith.constant 200 : i32
      %dma_wait3A_961 = arith.constant 0 : i32
      %dma_wait3A_962 = tpu.memref_slice %arg6[%dma_wait3A_959, %dma_wait3A_960, %dma_wait3A_961] : memref<4x400x64xf32, #tpu.memory_space<vmem>> -> memref<1x50x64xf32, #tpu.memory_space<vmem>>
      %dma_wait3A_963 = tpu.memref_squeeze %dma_wait3A_962 : memref<1x50x64xf32, #tpu.memory_space<vmem>> -> memref<50x64xf32, #tpu.memory_space<vmem>>
      %dma_wait3A_964 = arith.constant 0 : i32
      %dma_wait3A_965 = tpu.memref_slice %arg4[%mul3A_404, %dma_wait3A_964] : memref<917504x128xf32, #tpu.memory_space<hbm>> -> memref<50x64xf32, #tpu.memory_space<hbm>>
      %dma_wait3A_966 = arith.constant 0 : i32
      %dma_wait3A_967 = tpu.memref_slice %arg4[%mul3A_404, %dma_wait3A_966] : memref<917504x128xf32, #tpu.memory_space<hbm>> -> memref<50x64xf32, #tpu.memory_space<hbm>>
      %dma_wait3A_968 = arith.constant 200 : i32
      %dma_wait3A_969 = arith.constant 0 : i32
      %dma_wait3A_970 = tpu.memref_slice %arg6[%dma_wait3A_959, %dma_wait3A_968, %dma_wait3A_969] : memref<4x400x64xf32, #tpu.memory_space<vmem>> -> memref<1x50x64xf32, #tpu.memory_space<vmem>>
      %dma_wait3A_971 = tpu.memref_squeeze %dma_wait3A_970 : memref<1x50x64xf32, #tpu.memory_space<vmem>> -> memref<50x64xf32, #tpu.memory_space<vmem>>
      tpu.wait_dma2 semaphore(%arg9 : memref<!tpu.dma_semaphore, #tpu.memory_space<semaphore_mem>>) src(%dma_wait3A_971 : memref<50x64xf32, #tpu.memory_space<vmem>>) dst(%dma_wait3A_967 : memref<50x64xf32, #tpu.memory_space<hbm>>)
      %dma_wait3A_972 = arith.constant 1 : i32
      %dma_wait3A_973 = arith.constant 250 : i32
      %dma_wait3A_974 = arith.constant 0 : i32
      %dma_wait3A_975 = tpu.memref_slice %arg6[%dma_wait3A_972, %dma_wait3A_973, %dma_wait3A_974] : memref<4x400x64xf32, #tpu.memory_space<vmem>> -> memref<1x50x64xf32, #tpu.memory_space<vmem>>
      %dma_wait3A_976 = tpu.memref_squeeze %dma_wait3A_975 : memref<1x50x64xf32, #tpu.memory_space<vmem>> -> memref<50x64xf32, #tpu.memory_space<vmem>>
      %dma_wait3A_977 = arith.constant 0 : i32
      %dma_wait3A_978 = tpu.memref_slice %arg4[%mul3A_423, %dma_wait3A_977] : memref<917504x128xf32, #tpu.memory_space<hbm>> -> memref<50x64xf32, #tpu.memory_space<hbm>>
      %dma_wait3A_979 = arith.constant 0 : i32
      %dma_wait3A_980 = tpu.memref_slice %arg4[%mul3A_423, %dma_wait3A_979] : memref<917504x128xf32, #tpu.memory_space<hbm>> -> memref<50x64xf32, #tpu.memory_space<hbm>>
      %dma_wait3A_981 = arith.constant 250 : i32
      %dma_wait3A_982 = arith.constant 0 : i32
      %dma_wait3A_983 = tpu.memref_slice %arg6[%dma_wait3A_972, %dma_wait3A_981, %dma_wait3A_982] : memref<4x400x64xf32, #tpu.memory_space<vmem>> -> memref<1x50x64xf32, #tpu.memory_space<vmem>>
      %dma_wait3A_984 = tpu.memref_squeeze %dma_wait3A_983 : memref<1x50x64xf32, #tpu.memory_space<vmem>> -> memref<50x64xf32, #tpu.memory_space<vmem>>
      tpu.wait_dma2 semaphore(%arg9 : memref<!tpu.dma_semaphore, #tpu.memory_space<semaphore_mem>>) src(%dma_wait3A_984 : memref<50x64xf32, #tpu.memory_space<vmem>>) dst(%dma_wait3A_980 : memref<50x64xf32, #tpu.memory_space<hbm>>)
      %dma_wait3A_985 = arith.constant 1 : i32
      %dma_wait3A_986 = arith.constant 300 : i32
      %dma_wait3A_987 = arith.constant 0 : i32
      %dma_wait3A_988 = tpu.memref_slice %arg6[%dma_wait3A_985, %dma_wait3A_986, %dma_wait3A_987] : memref<4x400x64xf32, #tpu.memory_space<vmem>> -> memref<1x50x64xf32, #tpu.memory_space<vmem>>
      %dma_wait3A_989 = tpu.memref_squeeze %dma_wait3A_988 : memref<1x50x64xf32, #tpu.memory_space<vmem>> -> memref<50x64xf32, #tpu.memory_space<vmem>>
      %dma_wait3A_990 = arith.constant 0 : i32
      %dma_wait3A_991 = tpu.memref_slice %arg4[%mul3A_442, %dma_wait3A_990] : memref<917504x128xf32, #tpu.memory_space<hbm>> -> memref<50x64xf32, #tpu.memory_space<hbm>>
      %dma_wait3A_992 = arith.constant 0 : i32
      %dma_wait3A_993 = tpu.memref_slice %arg4[%mul3A_442, %dma_wait3A_992] : memref<917504x128xf32, #tpu.memory_space<hbm>> -> memref<50x64xf32, #tpu.memory_space<hbm>>
      %dma_wait3A_994 = arith.constant 300 : i32
      %dma_wait3A_995 = arith.constant 0 : i32
      %dma_wait3A_996 = tpu.memref_slice %arg6[%dma_wait3A_985, %dma_wait3A_994, %dma_wait3A_995] : memref<4x400x64xf32, #tpu.memory_space<vmem>> -> memref<1x50x64xf32, #tpu.memory_space<vmem>>
      %dma_wait3A_997 = tpu.memref_squeeze %dma_wait3A_996 : memref<1x50x64xf32, #tpu.memory_space<vmem>> -> memref<50x64xf32, #tpu.memory_space<vmem>>
      tpu.wait_dma2 semaphore(%arg9 : memref<!tpu.dma_semaphore, #tpu.memory_space<semaphore_mem>>) src(%dma_wait3A_997 : memref<50x64xf32, #tpu.memory_space<vmem>>) dst(%dma_wait3A_993 : memref<50x64xf32, #tpu.memory_space<hbm>>)
      %dma_wait3A_998 = arith.constant 1 : i32
      %dma_wait3A_999 = arith.constant 350 : i32
      %dma_wait3A_1000 = arith.constant 0 : i32
      %dma_wait3A_1001 = tpu.memref_slice %arg6[%dma_wait3A_998, %dma_wait3A_999, %dma_wait3A_1000] : memref<4x400x64xf32, #tpu.memory_space<vmem>> -> memref<1x50x64xf32, #tpu.memory_space<vmem>>
      %dma_wait3A_1002 = tpu.memref_squeeze %dma_wait3A_1001 : memref<1x50x64xf32, #tpu.memory_space<vmem>> -> memref<50x64xf32, #tpu.memory_space<vmem>>
      %dma_wait3A_1003 = arith.constant 0 : i32
      %dma_wait3A_1004 = tpu.memref_slice %arg4[%mul3A_461, %dma_wait3A_1003] : memref<917504x128xf32, #tpu.memory_space<hbm>> -> memref<50x64xf32, #tpu.memory_space<hbm>>
      %dma_wait3A_1005 = arith.constant 0 : i32
      %dma_wait3A_1006 = tpu.memref_slice %arg4[%mul3A_461, %dma_wait3A_1005] : memref<917504x128xf32, #tpu.memory_space<hbm>> -> memref<50x64xf32, #tpu.memory_space<hbm>>
      %dma_wait3A_1007 = arith.constant 350 : i32
      %dma_wait3A_1008 = arith.constant 0 : i32
      %dma_wait3A_1009 = tpu.memref_slice %arg6[%dma_wait3A_998, %dma_wait3A_1007, %dma_wait3A_1008] : memref<4x400x64xf32, #tpu.memory_space<vmem>> -> memref<1x50x64xf32, #tpu.memory_space<vmem>>
      %dma_wait3A_1010 = tpu.memref_squeeze %dma_wait3A_1009 : memref<1x50x64xf32, #tpu.memory_space<vmem>> -> memref<50x64xf32, #tpu.memory_space<vmem>>
      tpu.wait_dma2 semaphore(%arg9 : memref<!tpu.dma_semaphore, #tpu.memory_space<semaphore_mem>>) src(%dma_wait3A_1010 : memref<50x64xf32, #tpu.memory_space<vmem>>) dst(%dma_wait3A_1006 : memref<50x64xf32, #tpu.memory_space<hbm>>)
      %dma_wait3A_1011 = arith.constant 2 : i32
      %dma_wait3A_1012 = arith.constant 0 : i32
      %dma_wait3A_1013 = arith.constant 0 : i32
      %dma_wait3A_1014 = tpu.memref_slice %arg6[%dma_wait3A_1011, %dma_wait3A_1012, %dma_wait3A_1013] : memref<4x400x64xf32, #tpu.memory_space<vmem>> -> memref<1x50x64xf32, #tpu.memory_space<vmem>>
      %dma_wait3A_1015 = tpu.memref_squeeze %dma_wait3A_1014 : memref<1x50x64xf32, #tpu.memory_space<vmem>> -> memref<50x64xf32, #tpu.memory_space<vmem>>
      %dma_wait3A_1016 = arith.constant 0 : i32
      %dma_wait3A_1017 = tpu.memref_slice %arg4[%mul3A_492, %dma_wait3A_1016] : memref<917504x128xf32, #tpu.memory_space<hbm>> -> memref<50x64xf32, #tpu.memory_space<hbm>>
      %dma_wait3A_1018 = arith.constant 0 : i32
      %dma_wait3A_1019 = tpu.memref_slice %arg4[%mul3A_492, %dma_wait3A_1018] : memref<917504x128xf32, #tpu.memory_space<hbm>> -> memref<50x64xf32, #tpu.memory_space<hbm>>
      %dma_wait3A_1020 = arith.constant 0 : i32
      %dma_wait3A_1021 = arith.constant 0 : i32
      %dma_wait3A_1022 = tpu.memref_slice %arg6[%dma_wait3A_1011, %dma_wait3A_1020, %dma_wait3A_1021] : memref<4x400x64xf32, #tpu.memory_space<vmem>> -> memref<1x50x64xf32, #tpu.memory_space<vmem>>
      %dma_wait3A_1023 = tpu.memref_squeeze %dma_wait3A_1022 : memref<1x50x64xf32, #tpu.memory_space<vmem>> -> memref<50x64xf32, #tpu.memory_space<vmem>>
      tpu.wait_dma2 semaphore(%arg9 : memref<!tpu.dma_semaphore, #tpu.memory_space<semaphore_mem>>) src(%dma_wait3A_1023 : memref<50x64xf32, #tpu.memory_space<vmem>>) dst(%dma_wait3A_1019 : memref<50x64xf32, #tpu.memory_space<hbm>>)
      %dma_wait3A_1024 = arith.constant 2 : i32
      %dma_wait3A_1025 = arith.constant 50 : i32
      %dma_wait3A_1026 = arith.constant 0 : i32
      %dma_wait3A_1027 = tpu.memref_slice %arg6[%dma_wait3A_1024, %dma_wait3A_1025, %dma_wait3A_1026] : memref<4x400x64xf32, #tpu.memory_space<vmem>> -> memref<1x50x64xf32, #tpu.memory_space<vmem>>
      %dma_wait3A_1028 = tpu.memref_squeeze %dma_wait3A_1027 : memref<1x50x64xf32, #tpu.memory_space<vmem>> -> memref<50x64xf32, #tpu.memory_space<vmem>>
      %dma_wait3A_1029 = arith.constant 0 : i32
      %dma_wait3A_1030 = tpu.memref_slice %arg4[%mul3A_511, %dma_wait3A_1029] : memref<917504x128xf32, #tpu.memory_space<hbm>> -> memref<50x64xf32, #tpu.memory_space<hbm>>
      %dma_wait3A_1031 = arith.constant 0 : i32
      %dma_wait3A_1032 = tpu.memref_slice %arg4[%mul3A_511, %dma_wait3A_1031] : memref<917504x128xf32, #tpu.memory_space<hbm>> -> memref<50x64xf32, #tpu.memory_space<hbm>>
      %dma_wait3A_1033 = arith.constant 50 : i32
      %dma_wait3A_1034 = arith.constant 0 : i32
      %dma_wait3A_1035 = tpu.memref_slice %arg6[%dma_wait3A_1024, %dma_wait3A_1033, %dma_wait3A_1034] : memref<4x400x64xf32, #tpu.memory_space<vmem>> -> memref<1x50x64xf32, #tpu.memory_space<vmem>>
      %dma_wait3A_1036 = tpu.memref_squeeze %dma_wait3A_1035 : memref<1x50x64xf32, #tpu.memory_space<vmem>> -> memref<50x64xf32, #tpu.memory_space<vmem>>
      tpu.wait_dma2 semaphore(%arg9 : memref<!tpu.dma_semaphore, #tpu.memory_space<semaphore_mem>>) src(%dma_wait3A_1036 : memref<50x64xf32, #tpu.memory_space<vmem>>) dst(%dma_wait3A_1032 : memref<50x64xf32, #tpu.memory_space<hbm>>)
      %dma_wait3A_1037 = arith.constant 2 : i32
      %dma_wait3A_1038 = arith.constant 100 : i32
      %dma_wait3A_1039 = arith.constant 0 : i32
      %dma_wait3A_1040 = tpu.memref_slice %arg6[%dma_wait3A_1037, %dma_wait3A_1038, %dma_wait3A_1039] : memref<4x400x64xf32, #tpu.memory_space<vmem>> -> memref<1x50x64xf32, #tpu.memory_space<vmem>>
      %dma_wait3A_1041 = tpu.memref_squeeze %dma_wait3A_1040 : memref<1x50x64xf32, #tpu.memory_space<vmem>> -> memref<50x64xf32, #tpu.memory_space<vmem>>
      %dma_wait3A_1042 = arith.constant 0 : i32
      %dma_wait3A_1043 = tpu.memref_slice %arg4[%mul3A_530, %dma_wait3A_1042] : memref<917504x128xf32, #tpu.memory_space<hbm>> -> memref<50x64xf32, #tpu.memory_space<hbm>>
      %dma_wait3A_1044 = arith.constant 0 : i32
      %dma_wait3A_1045 = tpu.memref_slice %arg4[%mul3A_530, %dma_wait3A_1044] : memref<917504x128xf32, #tpu.memory_space<hbm>> -> memref<50x64xf32, #tpu.memory_space<hbm>>
      %dma_wait3A_1046 = arith.constant 100 : i32
      %dma_wait3A_1047 = arith.constant 0 : i32
      %dma_wait3A_1048 = tpu.memref_slice %arg6[%dma_wait3A_1037, %dma_wait3A_1046, %dma_wait3A_1047] : memref<4x400x64xf32, #tpu.memory_space<vmem>> -> memref<1x50x64xf32, #tpu.memory_space<vmem>>
      %dma_wait3A_1049 = tpu.memref_squeeze %dma_wait3A_1048 : memref<1x50x64xf32, #tpu.memory_space<vmem>> -> memref<50x64xf32, #tpu.memory_space<vmem>>
      tpu.wait_dma2 semaphore(%arg9 : memref<!tpu.dma_semaphore, #tpu.memory_space<semaphore_mem>>) src(%dma_wait3A_1049 : memref<50x64xf32, #tpu.memory_space<vmem>>) dst(%dma_wait3A_1045 : memref<50x64xf32, #tpu.memory_space<hbm>>)
      %dma_wait3A_1050 = arith.constant 2 : i32
      %dma_wait3A_1051 = arith.constant 150 : i32
      %dma_wait3A_1052 = arith.constant 0 : i32
      %dma_wait3A_1053 = tpu.memref_slice %arg6[%dma_wait3A_1050, %dma_wait3A_1051, %dma_wait3A_1052] : memref<4x400x64xf32, #tpu.memory_space<vmem>> -> memref<1x50x64xf32, #tpu.memory_space<vmem>>
      %dma_wait3A_1054 = tpu.memref_squeeze %dma_wait3A_1053 : memref<1x50x64xf32, #tpu.memory_space<vmem>> -> memref<50x64xf32, #tpu.memory_space<vmem>>
      %dma_wait3A_1055 = arith.constant 0 : i32
      %dma_wait3A_1056 = tpu.memref_slice %arg4[%mul3A_549, %dma_wait3A_1055] : memref<917504x128xf32, #tpu.memory_space<hbm>> -> memref<50x64xf32, #tpu.memory_space<hbm>>
      %dma_wait3A_1057 = arith.constant 0 : i32
      %dma_wait3A_1058 = tpu.memref_slice %arg4[%mul3A_549, %dma_wait3A_1057] : memref<917504x128xf32, #tpu.memory_space<hbm>> -> memref<50x64xf32, #tpu.memory_space<hbm>>
      %dma_wait3A_1059 = arith.constant 150 : i32
      %dma_wait3A_1060 = arith.constant 0 : i32
      %dma_wait3A_1061 = tpu.memref_slice %arg6[%dma_wait3A_1050, %dma_wait3A_1059, %dma_wait3A_1060] : memref<4x400x64xf32, #tpu.memory_space<vmem>> -> memref<1x50x64xf32, #tpu.memory_space<vmem>>
      %dma_wait3A_1062 = tpu.memref_squeeze %dma_wait3A_1061 : memref<1x50x64xf32, #tpu.memory_space<vmem>> -> memref<50x64xf32, #tpu.memory_space<vmem>>
      tpu.wait_dma2 semaphore(%arg9 : memref<!tpu.dma_semaphore, #tpu.memory_space<semaphore_mem>>) src(%dma_wait3A_1062 : memref<50x64xf32, #tpu.memory_space<vmem>>) dst(%dma_wait3A_1058 : memref<50x64xf32, #tpu.memory_space<hbm>>)
      %dma_wait3A_1063 = arith.constant 2 : i32
      %dma_wait3A_1064 = arith.constant 200 : i32
      %dma_wait3A_1065 = arith.constant 0 : i32
      %dma_wait3A_1066 = tpu.memref_slice %arg6[%dma_wait3A_1063, %dma_wait3A_1064, %dma_wait3A_1065] : memref<4x400x64xf32, #tpu.memory_space<vmem>> -> memref<1x50x64xf32, #tpu.memory_space<vmem>>
      %dma_wait3A_1067 = tpu.memref_squeeze %dma_wait3A_1066 : memref<1x50x64xf32, #tpu.memory_space<vmem>> -> memref<50x64xf32, #tpu.memory_space<vmem>>
      %dma_wait3A_1068 = arith.constant 0 : i32
      %dma_wait3A_1069 = tpu.memref_slice %arg4[%mul3A_568, %dma_wait3A_1068] : memref<917504x128xf32, #tpu.memory_space<hbm>> -> memref<50x64xf32, #tpu.memory_space<hbm>>
      %dma_wait3A_1070 = arith.constant 0 : i32
      %dma_wait3A_1071 = tpu.memref_slice %arg4[%mul3A_568, %dma_wait3A_1070] : memref<917504x128xf32, #tpu.memory_space<hbm>> -> memref<50x64xf32, #tpu.memory_space<hbm>>
      %dma_wait3A_1072 = arith.constant 200 : i32
      %dma_wait3A_1073 = arith.constant 0 : i32
      %dma_wait3A_1074 = tpu.memref_slice %arg6[%dma_wait3A_1063, %dma_wait3A_1072, %dma_wait3A_1073] : memref<4x400x64xf32, #tpu.memory_space<vmem>> -> memref<1x50x64xf32, #tpu.memory_space<vmem>>
      %dma_wait3A_1075 = tpu.memref_squeeze %dma_wait3A_1074 : memref<1x50x64xf32, #tpu.memory_space<vmem>> -> memref<50x64xf32, #tpu.memory_space<vmem>>
      tpu.wait_dma2 semaphore(%arg9 : memref<!tpu.dma_semaphore, #tpu.memory_space<semaphore_mem>>) src(%dma_wait3A_1075 : memref<50x64xf32, #tpu.memory_space<vmem>>) dst(%dma_wait3A_1071 : memref<50x64xf32, #tpu.memory_space<hbm>>)
      %dma_wait3A_1076 = arith.constant 2 : i32
      %dma_wait3A_1077 = arith.constant 250 : i32
      %dma_wait3A_1078 = arith.constant 0 : i32
      %dma_wait3A_1079 = tpu.memref_slice %arg6[%dma_wait3A_1076, %dma_wait3A_1077, %dma_wait3A_1078] : memref<4x400x64xf32, #tpu.memory_space<vmem>> -> memref<1x50x64xf32, #tpu.memory_space<vmem>>
      %dma_wait3A_1080 = tpu.memref_squeeze %dma_wait3A_1079 : memref<1x50x64xf32, #tpu.memory_space<vmem>> -> memref<50x64xf32, #tpu.memory_space<vmem>>
      %dma_wait3A_1081 = arith.constant 0 : i32
      %dma_wait3A_1082 = tpu.memref_slice %arg4[%mul3A_587, %dma_wait3A_1081] : memref<917504x128xf32, #tpu.memory_space<hbm>> -> memref<50x64xf32, #tpu.memory_space<hbm>>
      %dma_wait3A_1083 = arith.constant 0 : i32
      %dma_wait3A_1084 = tpu.memref_slice %arg4[%mul3A_587, %dma_wait3A_1083] : memref<917504x128xf32, #tpu.memory_space<hbm>> -> memref<50x64xf32, #tpu.memory_space<hbm>>
      %dma_wait3A_1085 = arith.constant 250 : i32
      %dma_wait3A_1086 = arith.constant 0 : i32
      %dma_wait3A_1087 = tpu.memref_slice %arg6[%dma_wait3A_1076, %dma_wait3A_1085, %dma_wait3A_1086] : memref<4x400x64xf32, #tpu.memory_space<vmem>> -> memref<1x50x64xf32, #tpu.memory_space<vmem>>
      %dma_wait3A_1088 = tpu.memref_squeeze %dma_wait3A_1087 : memref<1x50x64xf32, #tpu.memory_space<vmem>> -> memref<50x64xf32, #tpu.memory_space<vmem>>
      tpu.wait_dma2 semaphore(%arg9 : memref<!tpu.dma_semaphore, #tpu.memory_space<semaphore_mem>>) src(%dma_wait3A_1088 : memref<50x64xf32, #tpu.memory_space<vmem>>) dst(%dma_wait3A_1084 : memref<50x64xf32, #tpu.memory_space<hbm>>)
      %dma_wait3A_1089 = arith.constant 2 : i32
      %dma_wait3A_1090 = arith.constant 300 : i32
      %dma_wait3A_1091 = arith.constant 0 : i32
      %dma_wait3A_1092 = tpu.memref_slice %arg6[%dma_wait3A_1089, %dma_wait3A_1090, %dma_wait3A_1091] : memref<4x400x64xf32, #tpu.memory_space<vmem>> -> memref<1x50x64xf32, #tpu.memory_space<vmem>>
      %dma_wait3A_1093 = tpu.memref_squeeze %dma_wait3A_1092 : memref<1x50x64xf32, #tpu.memory_space<vmem>> -> memref<50x64xf32, #tpu.memory_space<vmem>>
      %dma_wait3A_1094 = arith.constant 0 : i32
      %dma_wait3A_1095 = tpu.memref_slice %arg4[%mul3A_606, %dma_wait3A_1094] : memref<917504x128xf32, #tpu.memory_space<hbm>> -> memref<50x64xf32, #tpu.memory_space<hbm>>
      %dma_wait3A_1096 = arith.constant 0 : i32
      %dma_wait3A_1097 = tpu.memref_slice %arg4[%mul3A_606, %dma_wait3A_1096] : memref<917504x128xf32, #tpu.memory_space<hbm>> -> memref<50x64xf32, #tpu.memory_space<hbm>>
      %dma_wait3A_1098 = arith.constant 300 : i32
      %dma_wait3A_1099 = arith.constant 0 : i32
      %dma_wait3A_1100 = tpu.memref_slice %arg6[%dma_wait3A_1089, %dma_wait3A_1098, %dma_wait3A_1099] : memref<4x400x64xf32, #tpu.memory_space<vmem>> -> memref<1x50x64xf32, #tpu.memory_space<vmem>>
      %dma_wait3A_1101 = tpu.memref_squeeze %dma_wait3A_1100 : memref<1x50x64xf32, #tpu.memory_space<vmem>> -> memref<50x64xf32, #tpu.memory_space<vmem>>
      tpu.wait_dma2 semaphore(%arg9 : memref<!tpu.dma_semaphore, #tpu.memory_space<semaphore_mem>>) src(%dma_wait3A_1101 : memref<50x64xf32, #tpu.memory_space<vmem>>) dst(%dma_wait3A_1097 : memref<50x64xf32, #tpu.memory_space<hbm>>)
      %dma_wait3A_1102 = arith.constant 2 : i32
      %dma_wait3A_1103 = arith.constant 350 : i32
      %dma_wait3A_1104 = arith.constant 0 : i32
      %dma_wait3A_1105 = tpu.memref_slice %arg6[%dma_wait3A_1102, %dma_wait3A_1103, %dma_wait3A_1104] : memref<4x400x64xf32, #tpu.memory_space<vmem>> -> memref<1x50x64xf32, #tpu.memory_space<vmem>>
      %dma_wait3A_1106 = tpu.memref_squeeze %dma_wait3A_1105 : memref<1x50x64xf32, #tpu.memory_space<vmem>> -> memref<50x64xf32, #tpu.memory_space<vmem>>
      %dma_wait3A_1107 = arith.constant 0 : i32
      %dma_wait3A_1108 = tpu.memref_slice %arg4[%mul3A_625, %dma_wait3A_1107] : memref<917504x128xf32, #tpu.memory_space<hbm>> -> memref<50x64xf32, #tpu.memory_space<hbm>>
      %dma_wait3A_1109 = arith.constant 0 : i32
      %dma_wait3A_1110 = tpu.memref_slice %arg4[%mul3A_625, %dma_wait3A_1109] : memref<917504x128xf32, #tpu.memory_space<hbm>> -> memref<50x64xf32, #tpu.memory_space<hbm>>
      %dma_wait3A_1111 = arith.constant 350 : i32
      %dma_wait3A_1112 = arith.constant 0 : i32
      %dma_wait3A_1113 = tpu.memref_slice %arg6[%dma_wait3A_1102, %dma_wait3A_1111, %dma_wait3A_1112] : memref<4x400x64xf32, #tpu.memory_space<vmem>> -> memref<1x50x64xf32, #tpu.memory_space<vmem>>
      %dma_wait3A_1114 = tpu.memref_squeeze %dma_wait3A_1113 : memref<1x50x64xf32, #tpu.memory_space<vmem>> -> memref<50x64xf32, #tpu.memory_space<vmem>>
      tpu.wait_dma2 semaphore(%arg9 : memref<!tpu.dma_semaphore, #tpu.memory_space<semaphore_mem>>) src(%dma_wait3A_1114 : memref<50x64xf32, #tpu.memory_space<vmem>>) dst(%dma_wait3A_1110 : memref<50x64xf32, #tpu.memory_space<hbm>>)
      %dma_wait3A_1115 = arith.constant 3 : i32
      %dma_wait3A_1116 = arith.constant 0 : i32
      %dma_wait3A_1117 = arith.constant 0 : i32
      %dma_wait3A_1118 = tpu.memref_slice %arg6[%dma_wait3A_1115, %dma_wait3A_1116, %dma_wait3A_1117] : memref<4x400x64xf32, #tpu.memory_space<vmem>> -> memref<1x50x64xf32, #tpu.memory_space<vmem>>
      %dma_wait3A_1119 = tpu.memref_squeeze %dma_wait3A_1118 : memref<1x50x64xf32, #tpu.memory_space<vmem>> -> memref<50x64xf32, #tpu.memory_space<vmem>>
      %dma_wait3A_1120 = arith.constant 0 : i32
      %dma_wait3A_1121 = tpu.memref_slice %arg4[%mul3A_656, %dma_wait3A_1120] : memref<917504x128xf32, #tpu.memory_space<hbm>> -> memref<50x64xf32, #tpu.memory_space<hbm>>
      %dma_wait3A_1122 = arith.constant 0 : i32
      %dma_wait3A_1123 = tpu.memref_slice %arg4[%mul3A_656, %dma_wait3A_1122] : memref<917504x128xf32, #tpu.memory_space<hbm>> -> memref<50x64xf32, #tpu.memory_space<hbm>>
      %dma_wait3A_1124 = arith.constant 0 : i32
      %dma_wait3A_1125 = arith.constant 0 : i32
      %dma_wait3A_1126 = tpu.memref_slice %arg6[%dma_wait3A_1115, %dma_wait3A_1124, %dma_wait3A_1125] : memref<4x400x64xf32, #tpu.memory_space<vmem>> -> memref<1x50x64xf32, #tpu.memory_space<vmem>>
      %dma_wait3A_1127 = tpu.memref_squeeze %dma_wait3A_1126 : memref<1x50x64xf32, #tpu.memory_space<vmem>> -> memref<50x64xf32, #tpu.memory_space<vmem>>
      tpu.wait_dma2 semaphore(%arg9 : memref<!tpu.dma_semaphore, #tpu.memory_space<semaphore_mem>>) src(%dma_wait3A_1127 : memref<50x64xf32, #tpu.memory_space<vmem>>) dst(%dma_wait3A_1123 : memref<50x64xf32, #tpu.memory_space<hbm>>)
      %dma_wait3A_1128 = arith.constant 3 : i32
      %dma_wait3A_1129 = arith.constant 50 : i32
      %dma_wait3A_1130 = arith.constant 0 : i32
      %dma_wait3A_1131 = tpu.memref_slice %arg6[%dma_wait3A_1128, %dma_wait3A_1129, %dma_wait3A_1130] : memref<4x400x64xf32, #tpu.memory_space<vmem>> -> memref<1x50x64xf32, #tpu.memory_space<vmem>>
      %dma_wait3A_1132 = tpu.memref_squeeze %dma_wait3A_1131 : memref<1x50x64xf32, #tpu.memory_space<vmem>> -> memref<50x64xf32, #tpu.memory_space<vmem>>
      %dma_wait3A_1133 = arith.constant 0 : i32
      %dma_wait3A_1134 = tpu.memref_slice %arg4[%mul3A_675, %dma_wait3A_1133] : memref<917504x128xf32, #tpu.memory_space<hbm>> -> memref<50x64xf32, #tpu.memory_space<hbm>>
      %dma_wait3A_1135 = arith.constant 0 : i32
      %dma_wait3A_1136 = tpu.memref_slice %arg4[%mul3A_675, %dma_wait3A_1135] : memref<917504x128xf32, #tpu.memory_space<hbm>> -> memref<50x64xf32, #tpu.memory_space<hbm>>
      %dma_wait3A_1137 = arith.constant 50 : i32
      %dma_wait3A_1138 = arith.constant 0 : i32
      %dma_wait3A_1139 = tpu.memref_slice %arg6[%dma_wait3A_1128, %dma_wait3A_1137, %dma_wait3A_1138] : memref<4x400x64xf32, #tpu.memory_space<vmem>> -> memref<1x50x64xf32, #tpu.memory_space<vmem>>
      %dma_wait3A_1140 = tpu.memref_squeeze %dma_wait3A_1139 : memref<1x50x64xf32, #tpu.memory_space<vmem>> -> memref<50x64xf32, #tpu.memory_space<vmem>>
      tpu.wait_dma2 semaphore(%arg9 : memref<!tpu.dma_semaphore, #tpu.memory_space<semaphore_mem>>) src(%dma_wait3A_1140 : memref<50x64xf32, #tpu.memory_space<vmem>>) dst(%dma_wait3A_1136 : memref<50x64xf32, #tpu.memory_space<hbm>>)
      %dma_wait3A_1141 = arith.constant 3 : i32
      %dma_wait3A_1142 = arith.constant 100 : i32
      %dma_wait3A_1143 = arith.constant 0 : i32
      %dma_wait3A_1144 = tpu.memref_slice %arg6[%dma_wait3A_1141, %dma_wait3A_1142, %dma_wait3A_1143] : memref<4x400x64xf32, #tpu.memory_space<vmem>> -> memref<1x50x64xf32, #tpu.memory_space<vmem>>
      %dma_wait3A_1145 = tpu.memref_squeeze %dma_wait3A_1144 : memref<1x50x64xf32, #tpu.memory_space<vmem>> -> memref<50x64xf32, #tpu.memory_space<vmem>>
      %dma_wait3A_1146 = arith.constant 0 : i32
      %dma_wait3A_1147 = tpu.memref_slice %arg4[%mul3A_694, %dma_wait3A_1146] : memref<917504x128xf32, #tpu.memory_space<hbm>> -> memref<50x64xf32, #tpu.memory_space<hbm>>
      %dma_wait3A_1148 = arith.constant 0 : i32
      %dma_wait3A_1149 = tpu.memref_slice %arg4[%mul3A_694, %dma_wait3A_1148] : memref<917504x128xf32, #tpu.memory_space<hbm>> -> memref<50x64xf32, #tpu.memory_space<hbm>>
      %dma_wait3A_1150 = arith.constant 100 : i32
      %dma_wait3A_1151 = arith.constant 0 : i32
      %dma_wait3A_1152 = tpu.memref_slice %arg6[%dma_wait3A_1141, %dma_wait3A_1150, %dma_wait3A_1151] : memref<4x400x64xf32, #tpu.memory_space<vmem>> -> memref<1x50x64xf32, #tpu.memory_space<vmem>>
      %dma_wait3A_1153 = tpu.memref_squeeze %dma_wait3A_1152 : memref<1x50x64xf32, #tpu.memory_space<vmem>> -> memref<50x64xf32, #tpu.memory_space<vmem>>
      tpu.wait_dma2 semaphore(%arg9 : memref<!tpu.dma_semaphore, #tpu.memory_space<semaphore_mem>>) src(%dma_wait3A_1153 : memref<50x64xf32, #tpu.memory_space<vmem>>) dst(%dma_wait3A_1149 : memref<50x64xf32, #tpu.memory_space<hbm>>)
      %dma_wait3A_1154 = arith.constant 3 : i32
      %dma_wait3A_1155 = arith.constant 150 : i32
      %dma_wait3A_1156 = arith.constant 0 : i32
      %dma_wait3A_1157 = tpu.memref_slice %arg6[%dma_wait3A_1154, %dma_wait3A_1155, %dma_wait3A_1156] : memref<4x400x64xf32, #tpu.memory_space<vmem>> -> memref<1x50x64xf32, #tpu.memory_space<vmem>>
      %dma_wait3A_1158 = tpu.memref_squeeze %dma_wait3A_1157 : memref<1x50x64xf32, #tpu.memory_space<vmem>> -> memref<50x64xf32, #tpu.memory_space<vmem>>
      %dma_wait3A_1159 = arith.constant 0 : i32
      %dma_wait3A_1160 = tpu.memref_slice %arg4[%mul3A_713, %dma_wait3A_1159] : memref<917504x128xf32, #tpu.memory_space<hbm>> -> memref<50x64xf32, #tpu.memory_space<hbm>>
      %dma_wait3A_1161 = arith.constant 0 : i32
      %dma_wait3A_1162 = tpu.memref_slice %arg4[%mul3A_713, %dma_wait3A_1161] : memref<917504x128xf32, #tpu.memory_space<hbm>> -> memref<50x64xf32, #tpu.memory_space<hbm>>
      %dma_wait3A_1163 = arith.constant 150 : i32
      %dma_wait3A_1164 = arith.constant 0 : i32
      %dma_wait3A_1165 = tpu.memref_slice %arg6[%dma_wait3A_1154, %dma_wait3A_1163, %dma_wait3A_1164] : memref<4x400x64xf32, #tpu.memory_space<vmem>> -> memref<1x50x64xf32, #tpu.memory_space<vmem>>
      %dma_wait3A_1166 = tpu.memref_squeeze %dma_wait3A_1165 : memref<1x50x64xf32, #tpu.memory_space<vmem>> -> memref<50x64xf32, #tpu.memory_space<vmem>>
      tpu.wait_dma2 semaphore(%arg9 : memref<!tpu.dma_semaphore, #tpu.memory_space<semaphore_mem>>) src(%dma_wait3A_1166 : memref<50x64xf32, #tpu.memory_space<vmem>>) dst(%dma_wait3A_1162 : memref<50x64xf32, #tpu.memory_space<hbm>>)
      %dma_wait3A_1167 = arith.constant 3 : i32
      %dma_wait3A_1168 = arith.constant 200 : i32
      %dma_wait3A_1169 = arith.constant 0 : i32
      %dma_wait3A_1170 = tpu.memref_slice %arg6[%dma_wait3A_1167, %dma_wait3A_1168, %dma_wait3A_1169] : memref<4x400x64xf32, #tpu.memory_space<vmem>> -> memref<1x50x64xf32, #tpu.memory_space<vmem>>
      %dma_wait3A_1171 = tpu.memref_squeeze %dma_wait3A_1170 : memref<1x50x64xf32, #tpu.memory_space<vmem>> -> memref<50x64xf32, #tpu.memory_space<vmem>>
      %dma_wait3A_1172 = arith.constant 0 : i32
      %dma_wait3A_1173 = tpu.memref_slice %arg4[%mul3A_732, %dma_wait3A_1172] : memref<917504x128xf32, #tpu.memory_space<hbm>> -> memref<50x64xf32, #tpu.memory_space<hbm>>
      %dma_wait3A_1174 = arith.constant 0 : i32
      %dma_wait3A_1175 = tpu.memref_slice %arg4[%mul3A_732, %dma_wait3A_1174] : memref<917504x128xf32, #tpu.memory_space<hbm>> -> memref<50x64xf32, #tpu.memory_space<hbm>>
      %dma_wait3A_1176 = arith.constant 200 : i32
      %dma_wait3A_1177 = arith.constant 0 : i32
      %dma_wait3A_1178 = tpu.memref_slice %arg6[%dma_wait3A_1167, %dma_wait3A_1176, %dma_wait3A_1177] : memref<4x400x64xf32, #tpu.memory_space<vmem>> -> memref<1x50x64xf32, #tpu.memory_space<vmem>>
      %dma_wait3A_1179 = tpu.memref_squeeze %dma_wait3A_1178 : memref<1x50x64xf32, #tpu.memory_space<vmem>> -> memref<50x64xf32, #tpu.memory_space<vmem>>
      tpu.wait_dma2 semaphore(%arg9 : memref<!tpu.dma_semaphore, #tpu.memory_space<semaphore_mem>>) src(%dma_wait3A_1179 : memref<50x64xf32, #tpu.memory_space<vmem>>) dst(%dma_wait3A_1175 : memref<50x64xf32, #tpu.memory_space<hbm>>)
      %dma_wait3A_1180 = arith.constant 3 : i32
      %dma_wait3A_1181 = arith.constant 250 : i32
      %dma_wait3A_1182 = arith.constant 0 : i32
      %dma_wait3A_1183 = tpu.memref_slice %arg6[%dma_wait3A_1180, %dma_wait3A_1181, %dma_wait3A_1182] : memref<4x400x64xf32, #tpu.memory_space<vmem>> -> memref<1x50x64xf32, #tpu.memory_space<vmem>>
      %dma_wait3A_1184 = tpu.memref_squeeze %dma_wait3A_1183 : memref<1x50x64xf32, #tpu.memory_space<vmem>> -> memref<50x64xf32, #tpu.memory_space<vmem>>
      %dma_wait3A_1185 = arith.constant 0 : i32
      %dma_wait3A_1186 = tpu.memref_slice %arg4[%mul3A_751, %dma_wait3A_1185] : memref<917504x128xf32, #tpu.memory_space<hbm>> -> memref<50x64xf32, #tpu.memory_space<hbm>>
      %dma_wait3A_1187 = arith.constant 0 : i32
      %dma_wait3A_1188 = tpu.memref_slice %arg4[%mul3A_751, %dma_wait3A_1187] : memref<917504x128xf32, #tpu.memory_space<hbm>> -> memref<50x64xf32, #tpu.memory_space<hbm>>
      %dma_wait3A_1189 = arith.constant 250 : i32
      %dma_wait3A_1190 = arith.constant 0 : i32
      %dma_wait3A_1191 = tpu.memref_slice %arg6[%dma_wait3A_1180, %dma_wait3A_1189, %dma_wait3A_1190] : memref<4x400x64xf32, #tpu.memory_space<vmem>> -> memref<1x50x64xf32, #tpu.memory_space<vmem>>
      %dma_wait3A_1192 = tpu.memref_squeeze %dma_wait3A_1191 : memref<1x50x64xf32, #tpu.memory_space<vmem>> -> memref<50x64xf32, #tpu.memory_space<vmem>>
      tpu.wait_dma2 semaphore(%arg9 : memref<!tpu.dma_semaphore, #tpu.memory_space<semaphore_mem>>) src(%dma_wait3A_1192 : memref<50x64xf32, #tpu.memory_space<vmem>>) dst(%dma_wait3A_1188 : memref<50x64xf32, #tpu.memory_space<hbm>>)
      %dma_wait3A_1193 = arith.constant 3 : i32
      %dma_wait3A_1194 = arith.constant 300 : i32
      %dma_wait3A_1195 = arith.constant 0 : i32
      %dma_wait3A_1196 = tpu.memref_slice %arg6[%dma_wait3A_1193, %dma_wait3A_1194, %dma_wait3A_1195] : memref<4x400x64xf32, #tpu.memory_space<vmem>> -> memref<1x50x64xf32, #tpu.memory_space<vmem>>
      %dma_wait3A_1197 = tpu.memref_squeeze %dma_wait3A_1196 : memref<1x50x64xf32, #tpu.memory_space<vmem>> -> memref<50x64xf32, #tpu.memory_space<vmem>>
      %dma_wait3A_1198 = arith.constant 0 : i32
      %dma_wait3A_1199 = tpu.memref_slice %arg4[%mul3A_770, %dma_wait3A_1198] : memref<917504x128xf32, #tpu.memory_space<hbm>> -> memref<50x64xf32, #tpu.memory_space<hbm>>
      %dma_wait3A_1200 = arith.constant 0 : i32
      %dma_wait3A_1201 = tpu.memref_slice %arg4[%mul3A_770, %dma_wait3A_1200] : memref<917504x128xf32, #tpu.memory_space<hbm>> -> memref<50x64xf32, #tpu.memory_space<hbm>>
      %dma_wait3A_1202 = arith.constant 300 : i32
      %dma_wait3A_1203 = arith.constant 0 : i32
      %dma_wait3A_1204 = tpu.memref_slice %arg6[%dma_wait3A_1193, %dma_wait3A_1202, %dma_wait3A_1203] : memref<4x400x64xf32, #tpu.memory_space<vmem>> -> memref<1x50x64xf32, #tpu.memory_space<vmem>>
      %dma_wait3A_1205 = tpu.memref_squeeze %dma_wait3A_1204 : memref<1x50x64xf32, #tpu.memory_space<vmem>> -> memref<50x64xf32, #tpu.memory_space<vmem>>
      tpu.wait_dma2 semaphore(%arg9 : memref<!tpu.dma_semaphore, #tpu.memory_space<semaphore_mem>>) src(%dma_wait3A_1205 : memref<50x64xf32, #tpu.memory_space<vmem>>) dst(%dma_wait3A_1201 : memref<50x64xf32, #tpu.memory_space<hbm>>)
      %dma_wait3A_1206 = arith.constant 3 : i32
      %dma_wait3A_1207 = arith.constant 350 : i32
      %dma_wait3A_1208 = arith.constant 0 : i32
      %dma_wait3A_1209 = tpu.memref_slice %arg6[%dma_wait3A_1206, %dma_wait3A_1207, %dma_wait3A_1208] : memref<4x400x64xf32, #tpu.memory_space<vmem>> -> memref<1x50x64xf32, #tpu.memory_space<vmem>>
      %dma_wait3A_1210 = tpu.memref_squeeze %dma_wait3A_1209 : memref<1x50x64xf32, #tpu.memory_space<vmem>> -> memref<50x64xf32, #tpu.memory_space<vmem>>
      %dma_wait3A_1211 = arith.constant 0 : i32
      %dma_wait3A_1212 = tpu.memref_slice %arg4[%mul3A_789, %dma_wait3A_1211] : memref<917504x128xf32, #tpu.memory_space<hbm>> -> memref<50x64xf32, #tpu.memory_space<hbm>>
      %dma_wait3A_1213 = arith.constant 0 : i32
      %dma_wait3A_1214 = tpu.memref_slice %arg4[%mul3A_789, %dma_wait3A_1213] : memref<917504x128xf32, #tpu.memory_space<hbm>> -> memref<50x64xf32, #tpu.memory_space<hbm>>
      %dma_wait3A_1215 = arith.constant 350 : i32
      %dma_wait3A_1216 = arith.constant 0 : i32
      %dma_wait3A_1217 = tpu.memref_slice %arg6[%dma_wait3A_1206, %dma_wait3A_1215, %dma_wait3A_1216] : memref<4x400x64xf32, #tpu.memory_space<vmem>> -> memref<1x50x64xf32, #tpu.memory_space<vmem>>
      %dma_wait3A_1218 = tpu.memref_squeeze %dma_wait3A_1217 : memref<1x50x64xf32, #tpu.memory_space<vmem>> -> memref<50x64xf32, #tpu.memory_space<vmem>>
      tpu.wait_dma2 semaphore(%arg9 : memref<!tpu.dma_semaphore, #tpu.memory_space<semaphore_mem>>) src(%dma_wait3A_1218 : memref<50x64xf32, #tpu.memory_space<vmem>>) dst(%dma_wait3A_1214 : memref<50x64xf32, #tpu.memory_space<hbm>>)
    }
    %scan3A_9 = arith.constant 16 : i32
    return
  }
}

</mosaic_0001>

<sc_bundles>
// kernel: kernel.3.cloned.1.call-start
scs
__scs_entry_jumppad:
0x0: {  	(pc) =	sbr.rel $0x88, $3  }
0x1: {  	(tag) =	ssettag $0x0;
	lr =	simm.s32 $0x1  }
0x2: {  	[smem:$0x3F9F] =	sst lr;
	_ =	strace $0xD0000000  }
0x3: {  	_ = 	snop  }
0x4: {  	_ = 	snop  }
0x5: {  	_ = 	snop  }
0x6: {  	_ = 	snop  }
0x7: {  	_ = 	snop  }
__scs_overlays_trampoline_lowered:
0x8: {  	[smem:$0x3FAE] =	sst s0  }
0x9: {  	[smem:$0x3FAF] =	sst s1  }
0xa: {  	[smem:$0x3FB0] =	sst s2  }
0xb: {  	[smem:$0x3FB1] =	sst s3  }
0xc: {  	[smem:$0x3FB2] =	sst s4  }
0xd: {  	[smem:$0x3FB3] =	sst s5  }
0xe: {  	[smem:$0x3FB4] =	sst s6  }
0xf: {  	[smem:$0x3FB5] =	sst s7  }
0x10: {  	[smem:$0x3FB6] =	sst s8  }
0x11: {  	[smem:$0x3FB7] =	sst s9;
	s0 =	simm.s32 @!p0 $0x0  }
0x12: {  	s1 =	sld [smem:$0x3F9D];
	s0 =	simm.s32 @p0 $0x1  }
0x13: {  	[smem:$0x3FB8] =	sst s0;
	s0 =	simm.s32 @!p1 $0x0  }
0x14: {  	s2 =	sld [smem:$0x3F9C];
	s0 =	simm.s32 @p1 $0x1  }
0x15: {  	[smem:$0x3FB9] =	sst s0;
	s0 =	simm.s32 @!p2 $0x0  }
0x16: {  	s3 =	sld [smem:$0x3FDB];
	s0 =	simm.s32 @p2 $0x1  }
0x17: {  	s4 =	simm.s32 $0x1BF5;
	[smem:$0x3FBB] =	sst s0  }
0x18: {  	s0 =	sld [smem:$0x3F9E];
	_ =	swait.ge [sflag:s4], $0x0  }
0x19: {  	s7 =	sld [smem:$0x3F9F]  }
0x1a: {  	s8 =	sadd.s32 $0xFFFFE003, lr  }
0x1b: {  	s9 =	sadd.s32 $0xFFFFFEF7, lr;
	s5 =	simm.s32 $0xFFFFFFFF;
	p2 =	slt.u32 s8, $0xFFFFF086  }
0x1c: {  	p1 =	slt.u32 s9, $0xF7A;
	s5 =	simm.s32 @!p2 $0x0  }
0x1d: {  	s5 =	simm.s32 @p1 $0x1;
	p0 =	seq.s32 s7, s2  }
0x1e: {  	s7 =	smul.u32 @!p0 $0xF7A, s2;
	p2 =	seq.s32 @!p0 s5, $0x0  }
0x1f: {  	s9 =	smul.u32 $0xF7A, s1;
	s8 =	simm.s32 @!p0 $0x1BF5;
	p2 =	por !p2, p0  }
0x20: {  	[sflag:s8] =	ssyncset.s32 @!p0 $0xFFFFF086;
	s6 =	sadd.s32 @!p0 s3, s7;
	s7 =	simm.s32 @!p0 $0x108  }
0x21: {  	s3 =	sadd.s32 s3, s9;
	s6 =	sadd.s32 @!p0 $0x88, s6;
	s7 =	simm.s32 @p2 $0x1082  }
0x22: {  	[simem:s7], [sflag:s8] =	dma.local @!p0 [hbm:s6], $0xF7A  }
0x23: {  	s9 =	sor.u32 $0xD0000000, s2;
	s6 =	simm.s32 $0x108;
	_ =	swait.ge @!p0 [sflag:s8], $0x0  }
0x24: {  	s3 =	sadd.s32 $0x88, s3;
	s6 =	simm.s32 @!p1 $0x1082;
	[sflag:s4] =	ssyncset.s32 $0xFFFFF086  }
0x25: {  	[simem:s6], [sflag:s4] =	dma.local [hbm:s3], $0xF7A  }
0x26: {  	[smem:$0x3F9F] =	sst s1;
	(tag) =	ssettag s2;
	_ =	strace s9  }
0x27: {  	s1 =	sld [smem:$0x3FAF]  }
0x28: {  	s2 =	sld [smem:$0x3FB0]  }
0x29: {  	s4 =	sld [smem:$0x3FB2]  }
0x2a: {  	p0 =	seq.s32 s5, $0x0;
	s5 =	sld [smem:$0x3FB3]  }
0x2b: {  	s6 =	sld [smem:$0x3FB4]  }
0x2c: {  	s7 =	sld [smem:$0x3FB5]  }
0x2d: {  	s3 =	simm.s32 $0x108;
	s8 =	sld [smem:$0x3FB6]  }
0x2e: {  	s3 =	simm.s32 @!p0 $0x1082;
	s9 =	sld [smem:$0x3FB7]  }
0x2f: {  	lr =	sadd.s32 s0, s3;
	s0 =	sld [smem:$0x3FAE]  }
0x30: {  	s3 =	sld [smem:$0x3FB1]  }
0x31: {  	[smem:$0x3FBA] =	sst s10  }
0x32: {  	s10 =	sld [smem:$0x3FB8];
	_ =	sdelay $0x3  }
0x33: {  	p0 =	seq.s32 s10, $0x1;
	s10 =	sld [smem:$0x3FBA];
	_ =	sdelay $0x3  }
0x34: {  	[smem:$0x3FBA] =	sst s10  }
0x35: {  	s10 =	sld [smem:$0x3FB9];
	_ =	sdelay $0x3  }
0x36: {  	p1 =	seq.s32 s10, $0x1;
	s10 =	sld [smem:$0x3FBA];
	_ =	sdelay $0x3  }
0x37: {  	[smem:$0x3FBA] =	sst s10  }
0x38: {  	s10 =	sld [smem:$0x3FBB]  }
0x39: {  	_ = 	snop;
	(pc) =	sbr.ind lr, $3  }
0x3a: {  	_ = 	snop  }
0x3b: {  	_ = 	snop  }
0x3c: {  	p2 =	seq.s32 s10, $0x1;
	s10 =	sld [smem:$0x3FBA]  }
0x3d: {  	_ =	shalt  }
0x3e: {  	_ =	shalt  }
0x3f: {  	_ =	shalt  }
0x40: {  	_ =	shalt  }
0x41: {  	_ =	shalt  }
0x42: {  	_ =	shalt  }
0x43: {  	_ =	shalt  }
0x44: {  	_ =	shalt  }
0x45: {  	_ =	shalt  }
0x46: {  	_ =	shalt  }
0x47: {  	_ =	shalt  }
0x48: {  	_ =	shalt  }
0x49: {  	_ =	shalt  }
0x4a: {  	_ =	shalt  }
0x4b: {  	_ =	shalt  }
0x4c: {  	_ =	shalt  }
0x4d: {  	_ =	shalt  }
0x4e: {  	_ =	shalt  }
0x4f: {  	_ =	shalt  }
0x50: {  	_ =	shalt  }
0x51: {  	_ =	shalt  }
0x52: {  	_ =	shalt  }
0x53: {  	_ =	shalt  }
0x54: {  	_ =	shalt  }
0x55: {  	_ =	shalt  }
0x56: {  	_ =	shalt  }
0x57: {  	_ =	shalt  }
0x58: {  	_ =	shalt  }
0x59: {  	_ =	shalt  }
0x5a: {  	_ =	shalt  }
0x5b: {  	_ =	shalt  }
0x5c: {  	_ =	shalt  }
0x5d: {  	_ =	shalt  }
0x5e: {  	_ =	shalt  }
0x5f: {  	_ =	shalt  }
0x60: {  	_ =	shalt  }
0x61: {  	_ =	shalt  }
0x62: {  	_ =	shalt  }
0x63: {  	_ =	shalt  }
0x64: {  	_ =	shalt  }
0x65: {  	_ =	shalt  }
0x66: {  	_ =	shalt  }
0x67: {  	_ =	shalt  }
0x68: {  	_ =	shalt  }
0x69: {  	_ =	shalt  }
0x6a: {  	_ =	shalt  }
0x6b: {  	_ =	shalt  }
0x6c: {  	_ =	shalt  }
0x6d: {  	_ =	shalt  }
0x6e: {  	_ =	shalt  }
0x6f: {  	_ =	shalt  }
0x70: {  	_ =	shalt  }
0x71: {  	_ =	shalt  }
0x72: {  	_ =	shalt  }
0x73: {  	_ =	shalt  }
0x74: {  	_ =	shalt  }
0x75: {  	_ =	shalt  }
0x76: {  	_ =	shalt  }
0x77: {  	_ =	shalt  }
0x78: {  	_ =	shalt  }
0x79: {  	_ =	shalt  }
0x7a: {  	_ =	shalt  }
0x7b: {  	_ =	shalt  }
0x7c: {  	_ =	shalt  }
0x7d: {  	_ =	shalt  }
0x7e: {  	_ =	shalt  }
0x7f: {  	_ =	shalt  }
0x80: {  	_ =	shalt  }
0x81: {  	_ =	shalt  }
0x82: {  	_ =	shalt  }
0x83: {  	_ =	shalt  }
0x84: {  	_ =	shalt  }
0x85: {  	_ =	shalt  }
0x86: {  	_ =	shalt  }
0x87: {  	_ =	shalt  }
.Lfunc_end0:
.L_simem_size_0:
called_computation.1_lowered:
.L_overlay_start_0:
0x88: {  	s2 =	sld [smem:$0x3FD9]  }
0x89: {  	s3 =	sld [smem:$0x3FFE];
	_ =	sdelay $0x1  }
0x8a: {  	s1 =	srdreg.scid  }
0x8b: {  	s0 =	sand.u32 $0x1, s1  }
0x8c: {  	s17 =	sshll.u32 s0, $0xA;
	s2 =	sadd.s32 s3, s2  }
0x8d: {  	s2 =	sadd.s32 s2, s17  }
0x8e: {  	[smem:$0x3FC6] =	sst s2  }
0x8f: {  	_ = 	snop  }
0x90: {  	s2 =	sld [smem:$0x3FD0];
	(tm) =	ssettm $0x1  }
0x91: {  	s18 =	sld [smem:$0x3FFB];
	_ =	sdelay $0x3  }
0x92: {  	_ =	strace s18  }
0x93: {  	s3 =	sld [smem:$0x3FFC];
	_ =	sdelay $0x3  }
0x94: {  	_ =	strace s3  }
0x95: {  	s3 =	sld [smem:$0x3FFD];
	_ =	sdelay $0x3  }
0x96: {  	_ =	strace s3  }
0x97: {  	_ =	strace $0x8FFFFFFF  }
0x98: {  	s19 =	sld [smem:$0x3FDB];
	_ =	sdelay $0x1  }
0x99: {  	s4 =	simm.s32 $_scs_section_size  }
0x9a: {  	s5 =	simm.s32 $_size__tile_overlayer_lowered;
	s6 =	simm.s32 $_tile_overlayer_lowered  }
0x9b: {  	s22 =	simm.s32 $0x1BFF;
	s21 =	sshll.u32 s6, $0x1;
	s3 =	sadd.s32 s4, s19  }
0x9c: {  	s7 =	simm.s32 $0x0;
	s20 =	sshll.u32 s5, $0x1;
	s5 =	sadd.s32 s21, s3  }
0x9d: {  	[timem:s7], [sflag:s22] =	dma.local [hbm:s5], s20  }
0x9e: {  	_ =	swait.ge [sflag:s22], s20  }
0x9f: {  	s4 =	ssub.s32 $0x0, s20;
	[sflag:s22] =	ssyncset.done $0x0  }
0xa0: {  	[sflag:s22] =	ssyncadd.s32 s4;
	_ =	sdelay $0x1  }
0xa1: {  	s23 =	simm.s32 $0x1B8B  }
0xa2: {  	_ =	swait.ge [sflag:s23], $0x1  }
0xa3: {  	[sflag:s23] =	ssyncset.done $0x0  }
0xa4: {  	s25 =	simm.s32 $0x1B8E;
	s24 =	sld [smem:$0x3FFE];
	[sflag:s23] =	ssyncadd.s32 $0xFFFFFFFF  }
0xa5: {  	s26 =	simm.s32 $execute0_lowered;
	[smem:$0x3FD2] =	sst s25  }
0xa6: {  	s5 =	sshll.u32 s26, $0x1;
	_ =	strace $0x80000046;
	[dreg:$0x1] =	wrdreg $0xFFFFFFFF  }
0xa7: {  	s28 =	simm.s32 $_size_execute0_lowered;
	s3 =	sadd.s32 s3, s5;
	[dreg:$0x0] =	wrdreg $0x0  }
0xa8: {  	s5 =	sshll.u32 s28, $0x1;
	[dreg:$0x2] =	wrdreg s3  }
0xa9: {  	[dreg:$0x3] =	wrdreg s5  }
0xaa: {  	[dreg:$0x4] =	wrdreg $0xC0  }
0xab: {  	_ =	task [dreg:s7], $0x5FFFF  }
0xac: {  	[dreg:$0x1] =	wrdreg $0xFFFFFFFF  }
0xad: {  	[dreg:$0x0] =	wrdreg $0x60  }
0xae: {  	[dreg:$0x2] =	wrdreg s2  }
0xaf: {  	[dreg:$0x3] =	wrdreg s24  }
0xb0: {  	[dreg:$0x4] =	wrdreg $0x9  }
0xb1: {  	_ =	task.clear_ibuf [dreg:s7], $0x5FFFF;
	_ =	strace $0x90000046  }
0xb2: {  	s29 =	simm.s32 $0x9;
	_ =	strace $0x80000048  }
0xb3: {  	_ =	swait.ge [sflag:s29], $0x1  }
0xb4: {  	[sflag:s29] =	ssyncadd.s32 $0xFFFFFFFF  }
0xb5: {  	_ =	strace $0x90000048  }
0xb6: {  	_ =	sfence  }
0xb7: {  	s30 =	sld [smem:$0x0];
	_ =	sdelay $0x2  }
0xb8: {  	s31 =	sshll.u32 s1, $0xD;
	s1 =	sshrl.u32 s1, $0x2  }
0xb9: {  	s3 =	sand.u32 $0x4000, s31;
	s1 =	sadd.s32 s1, s30  }
0xba: {  	s0 =	sor.u32 s3, s0;
	s1 =	sshll.u32 s1, $0x11  }
0xbb: {  	s0 =	sor.u32 s1, s0  }
0xbc: {  	s0 =	sadd.s32 $0x8F2B, s0  }
0xbd: {  	[sflag:s0] =	ssyncadd.remote.s32 $0x1  }
0xbe: {  	_ =	sfence.sel $0xFFFF  }
0xbf: {  	[dreg:$0x0] =	wrdreg $0xFFFFFFFF;
	(pc) =	sbr.abs _section_cstart, $3  }
0xc0: {  	[dreg:$0x1] =	wrdreg $0xFFFFFFFF  }
0xc1: {  	_ =	task.clear_ibuf [dreg:s7], $0x2FFFF;
	_ =	strace $0x9FFFFFFF  }
0xc2: {  	(tm) =	ssettm $0x7FFFFFFF  }
0xc3: {  	_ =	shalt  }
tec
execute0_lowered:
.L_overlay_start_1:
0x0: {  	(tag) =	ssettag $0x1  }
0x1: {  	s1 =	srdreg.scid;
	s0 =	stileid.u32  }
0x2: {  	s4 =	sand.u32 $0x1, s1;
	s13 =	smul.u32 $0x700000, s0  }
0x3: {  	s2 =	smul.u32 $0x380000, s4  }
0x4: {  	s8 =	rddreg [dreg:$0x0]  }
0x5: {  	s3 =	rddreg [dreg:$0x1];
	s6 =	sadd.s32 s2, s13;
	s2 =	simm.s32 $0x0  }
0x6: {  	s5 =	sadd.s32 $0xA00, s3;
	s7 =	sor.u32 $0x36400, s6;
	[smem:$0x7FF] =	sst s2  }
0x7: {  	s9 =	sor.u32 $0x34800, s6;
	s15 =	sor.u32 $0x32C00, s6;
	s10 =	sor.u32 $0x31000, s6  }
0x8: {  	s19 =	sor.u32 $0x2F400, s6;
	s21 =	sor.u32 $0x2D800, s6;
	s22 =	sor.u32 $0x2BC00, s6  }
0x9: {  	s26 =	sor.u32 $0x2A000, s6;
	s29 =	sor.u32 $0x28400, s6;
	s30 =	sor.u32 $0x26800, s6  }
0xa: {  	s12 =	sor.u32 $0x23000, s6;
	s13 =	sor.u32 $0x21400, s6;
	s7 =	sshrl.u32 s7, $0x3  }
0xb: {  	_ =	strace $0x80000047;
	s14 =	sshrl.u32 s9, $0x3;
	s9 =	sshrl.u32 s15, $0x3  }
0xc: {  	s17 =	sshrl.u32 s10, $0x3;
	s20 =	sshrl.u32 s19, $0x3;
	s24 =	sshrl.u32 s22, $0x3  }
0xd: {  	s28 =	sshrl.u32 s26, $0x3;
	s1 =	sshrl.u32 s30, $0x3;
	s10 =	sor.u32 $0x24C00, s6  }
0xe: {  	s15 =	sshrl.u32 s13, $0x3;
	s19 =	sor.u32 $0x1DC00, s6;
	s26 =	sor.u32 $0x18800, s6  }
0xf: {  	s7 =	sadd.s32 s7, s5;
	s16 =	sadd.s32 s9, s5;
	s18 =	sadd.s32 s17, s5  }
0x10: {  	s9 =	sshrl.u32 s21, $0x3;
	s25 =	sadd.s32 s24, s5;
	[dreg:$0x3] =	wrdreg s7  }
0x11: {  	s11 =	sshrl.u32 s10, $0x3;
	s17 =	sor.u32 $0x1F800, s6;
	[dreg:$0x5] =	wrdreg s16  }
0x12: {  	s24 =	sor.u32 $0x1A400, s6;
	s7 =	sadd.s32 s14, s5;
	[dreg:$0x6] =	wrdreg s18  }
0x13: {  	s23 =	sadd.s32 s9, s5;
	[dreg:$0x9] =	wrdreg s25;
	s9 =	sshrl.u32 s29, $0x3  }
0x14: {  	s16 =	sadd.s32 s15, s5;
	s18 =	sshrl.u32 s17, $0x3;
	[dreg:$0x4] =	wrdreg s7  }
0x15: {  	s25 =	sshrl.u32 s24, $0x3;
	s24 =	smul.u32 $0xE0000, s0;
	[dreg:$0x8] =	wrdreg s23  }
0x16: {  	s7 =	sadd.s32 s20, s5;
	s31 =	sadd.s32 s9, s5;
	[dreg:$0xf] =	wrdreg s16  }
0x17: {  	s9 =	sadd.s32 s1, s5;
	s20 =	sor.u32 $0x1C000, s6;
	[dreg:$0x7] =	wrdreg s7  }
0x18: {  	s1 =	sor.u32 $0x15000, s6;
	s16 =	sor.u32 $0xFC00, s6;
	[dreg:$0xb] =	wrdreg s31  }
0x19: {  	s7 =	sadd.s32 s28, s5;
	[dreg:$0xc] =	wrdreg s9;
	s9 =	sshrl.u32 s12, $0x3  }
0x1a: {  	s22 =	sshrl.u32 s20, $0x3;
	s28 =	sor.u32 $0x16C00, s6;
	s10 =	sshrl.u32 s1, $0x3  }
0x1b: {  	s12 =	sor.u32 $0x11800, s6;
	[dreg:$0xa] =	wrdreg s7;
	s7 =	sadd.s32 s11, s5  }
0x1c: {  	s1 =	smul.u32 $0x6400, s4;
	s14 =	sadd.s32 s9, s5;
	[dreg:$0xd] =	wrdreg s7  }
0x1d: {  	s9 =	sshrl.u32 s19, $0x3;
	s23 =	sadd.s32 s22, s5;
	[dreg:$0xe] =	wrdreg s14  }
0x1e: {  	s30 =	sshrl.u32 s28, $0x3;
	s7 =	sadd.s32 s18, s5;
	[dreg:$0x12] =	wrdreg s23  }
0x1f: {  	s11 =	sor.u32 $0x13400, s6;
	s21 =	sadd.s32 s9, s5;
	[dreg:$0x10] =	wrdreg s7  }
0x20: {  	s19 =	sor.u32 $0xC400, s6;
	s31 =	sadd.s32 s30, s5;
	[dreg:$0x11] =	wrdreg s21  }
0x21: {  	s9 =	sshrl.u32 s26, $0x3;
	s30 =	simm.s32 $0x1F40;
	[dreg:$0x15] =	wrdreg s31  }
0x22: {  	s14 =	sshrl.u32 s12, $0x3;
	s7 =	sadd.s32 s25, s5;
	[smem:$0x7DE] =	sst s30  }
0x23: {  	s18 =	sor.u32 $0xE000, s6;
	s29 =	sadd.s32 s9, s5;
	[dreg:$0x13] =	wrdreg s7  }
0x24: {  	s26 =	ssub.s32 $0x2, s4;
	s15 =	sadd.s32 s14, s5;
	[dreg:$0x14] =	wrdreg s29  }
0x25: {  	s31 =	smul.u32 $0xC800, s0;
	s0 =	simm.s32 $0x2BC0;
	[dreg:$0x18] =	wrdreg s15  }
0x26: {  	s25 =	smul.u32 $0x70000, s4;
	s4 =	simm.s32 $0x3840;
	[smem:$0x7DF] =	sst s0  }
0x27: {  	s9 =	sshrl.u32 s11, $0x3;
	s11 =	simm.s32 $0x5140;
	[smem:$0x7E1] =	sst s4  }
0x28: {  	s23 =	sor.u32 $0xA800, s6;
	s30 =	simm.s32 $0x10040;
	[smem:$0x7E3] =	sst s11  }
0x29: {  	s6 =	sor.u32 $0x8C00, s6;
	s7 =	sadd.s32 s10, s5;
	[smem:$0x7F3] =	sst s30  }
0x2a: {  	s21 =	sshrl.u32 s19, $0x3;
	s13 =	sadd.s32 s9, s5;
	[dreg:$0x16] =	wrdreg s7  }
0x2b: {  	s6 =	sshrl.u32 s6, $0x3;
	s22 =	sadd.s32 s21, s5;
	[dreg:$0x17] =	wrdreg s13  }
0x2c: {  	s6 =	sadd.s32 s6, s5;
	[dreg:$0x1b] =	wrdreg s22  }
0x2d: {  	s29 =	simm.s32 $0x12C0;
	[dreg:$0x1d] =	wrdreg s6  }
0x2e: {  	s10 =	simm.s32 $0x44C0;
	[dreg:$0x1f] =	wrdreg s29  }
0x2f: {  	s15 =	simm.s32 $0x76C0;
	[smem:$0x7E2] =	sst s10  }
0x30: {  	s9 =	sshrl.u32 s18, $0x3;
	s18 =	simm.s32 $0x8FC0;
	[smem:$0x7E6] =	sst s15  }
0x31: {  	s17 =	sshrl.u32 s16, $0x3;
	s11 =	simm.s32 $0xB540;
	[smem:$0x7E9] =	sst s18  }
0x32: {  	s7 =	sadd.s32 s17, s5;
	[smem:$0x7ED] =	sst s11  }
0x33: {  	s20 =	sadd.s32 s9, s5;
	[dreg:$0x19] =	wrdreg s7  }
0x34: {  	s13 =	simm.s32 $0x5DC0;
	[dreg:$0x1a] =	wrdreg s20  }
0x35: {  	s3 =	sadd.s32 $0xF42E00, s3;
	s17 =	simm.s32 $0x8340;
	[smem:$0x7E5] =	sst s13  }
0x36: {  	s28 =	sshrl.u32 s26, $0x1;
	s22 =	simm.s32 $0xA8C0;
	[smem:$0x7E7] =	sst s17  }
0x37: {  	s6 =	ssub.s32 s26, s28;
	s26 =	simm.s32 $0xE740;
	[smem:$0x7EB] =	sst s22  }
0x38: {  	s9 =	sadd.s32 s1, s31;
	s29 =	simm.s32 $0xF3C0;
	[smem:$0x7F1] =	sst s26  }
0x39: {  	s11 =	simm.s32 $0x4B0;
	s15 =	simm.s32 $0x13EC0;
	[smem:$0x7F2] =	sst s29  }
0x3a: {  	s18 =	simm.s32 $0x16440;
	s31 =	simm.s32 $0x189C0;
	[smem:$0x7F7] =	sst s15  }
0x3b: {  	s7 =	sshrl.u32 s23, $0x3;
	s6 =	smax.u32 s6, $0x1;
	[smem:$0x7FA] =	sst s18  }
0x3c: {  	s12 =	sshrl.u32 s9, $0x3;
	s16 =	sadd.s32 $0x4B0, s9;
	[smem:$0x7FD] =	sst s31  }
0x3d: {  	s20 =	simm.s32 $0x9C40;
	s21 =	sor.u32 $0x320, s9;
	[smem:$0x7E0] =	sst s6  }
0x3e: {  	s9 =	sor.u32 $0x190, s9;
	s13 =	simm.s32 $0x11940;
	[smem:$0x7EA] =	sst s20  }
0x3f: {  	s15 =	simm.s32 $0xCE40;
	s17 =	simm.s32 $0x157C0;
	[smem:$0x7F5] =	sst s13  }
0x40: {  	s18 =	simm.s32 $0x40;
	s7 =	sadd.s32 s7, s5;
	[smem:$0x7F9] =	sst s17  }
0x41: {  	s5 =	sadd.s32 s24, s5;
	s14 =	sadd.s32 s12, s8;
	[dreg:$0x1c] =	wrdreg s7  }
0x42: {  	s10 =	sshrl.u32 s21, $0x3;
	s24 =	simm.s32 $0xC1C0;
	[smem:$0x7E4] =	sst s14  }
0x43: {  	s9 =	sshrl.u32 s9, $0x3;
	s12 =	simm.s32 $0x10CC0;
	[smem:$0x7EE] =	sst s24  }
0x44: {  	s13 =	simm.s32 $0x640;
	s20 =	simm.s32 $0x17D40;
	[smem:$0x7F4] =	sst s12  }
0x45: {  	s17 =	simm.s32 $0x2;
	s5 =	sadd.s32 s25, s5;
	[smem:$0x7FC] =	sst s20  }
0x46: {  	s21 =	simm.s32 $0x0;
	s23 =	sadd.s32 s10, s8;
	[dreg:$0x1e] =	wrdreg s5  }
0x47: {  	s7 =	sshrl.u32 s16, $0x3;
	s25 =	simm.s32 $0xDAC0;
	[smem:$0x7EC] =	sst s23  }
0x48: {  	s28 =	sadd.s32 s9, s8;
	s9 =	simm.s32 $0x190;
	[smem:$0x7EF] =	sst s25  }
0x49: {  	s10 =	simm.s32 $0x320;
	s14 =	simm.s32 $0x125C0;
	[smem:$0x7F0] =	sst s28  }
0x4a: {  	s12 =	simm.s32 $0x1;
	s16 =	simm.s32 $0x14B40;
	[smem:$0x7F6] =	sst s14  }
0x4b: {  	s20 =	simm.s32 $0x3;
	s19 =	sadd.s32 s7, s8;
	[smem:$0x7F8] =	sst s16  }
0x4c: {  	s14 =	simm.s32 $0x6A40;
	[smem:$0x7E8] =	sst s19;
	s19 =	simm.s32 $0x170C0  }
0x4d: {  	s16 =	simm.s32 $0x13240;
	[smem:$0x7FB] =	sst s19;
	s19 =	simm.s32 $0x80  }
.LBB2_1:
0x4e: {  	s0 =	sld [smem:$0x7E4];
	_ =	sdelay $0x1  }
0x4f: {  	s5 =	sld [smem:$0x7F0]  }
0x50: {  	[tilespmem:s2], [sflag:$0x1] =	stream.linear.gather [hbm4b:s0+s2], $0x190, $0x38;
	[tilespmem:$0x19640] =	vst v63  }
0x51: {  	s4 =	sld [smem:$0x7EC]  }
0x52: {  	[tilespmem:s9], [sflag:$0x1] =	stream.linear.gather [hbm4b:s5+s2], $0x190, $0x38;
	[tilespmem:$0x19640] =	vst v63  }
0x53: {  	s1 =	sld [smem:$0x7E8]  }
0x54: {  	[tilespmem:s10], [sflag:$0x1] =	stream.linear.gather [hbm4b:s4+s2], $0x190, $0x38;
	[tilespmem:$0x19640] =	vst v63  }
0x55: {  	_ = 	snop  }
0x56: {  	[tilespmem:s11], [sflag:$0x1] =	stream.linear.gather [hbm4b:s1+s2], $0x190, $0x38;
	[tilespmem:$0x19640] =	vst v63  }
0x57: {  	_ =	swait.ge [sflag:s12], $0x190  }
0x58: {  	[sflag:s12] =	ssyncset.done $0x0  }
0x59: {  	[sflag:s12] =	ssyncadd.s32 $0xFFFFFE70  }
0x5a: {  	[tilespmem:s13], [sflag:$0x2] =	stream.indirect.gather [hbm4b:s3+s9], $0x40, s2, s9, $0xb8;
	[tilespmem:$0x19640] =	vst v63  }
0x5b: {  	_ =	swait.ge [sflag:s12], $0x190  }
0x5c: {  	[sflag:s12] =	ssyncset.done $0x0  }
0x5d: {  	[sflag:s12] =	ssyncadd.s32 $0xFFFFFE70  }
0x5e: {  	[tilespmem:s14], [sflag:$0x2] =	stream.indirect.gather [hbm4b:s3+s9], $0x40, s9, s9, $0xb8;
	[tilespmem:$0x19640] =	vst v63  }
0x5f: {  	_ =	swait.ge [sflag:s12], $0x190  }
0x60: {  	[sflag:s12] =	ssyncset.done $0x0  }
0x61: {  	[sflag:s12] =	ssyncadd.s32 $0xFFFFFE70  }
0x62: {  	[tilespmem:s15], [sflag:$0x2] =	stream.indirect.gather [hbm4b:s3+s9], $0x40, s10, s9, $0xb8;
	[tilespmem:$0x19640] =	vst v63  }
0x63: {  	_ =	swait.ge [sflag:s12], $0x190  }
0x64: {  	[sflag:s12] =	ssyncset.done $0x0  }
0x65: {  	[sflag:s12] =	ssyncadd.s32 $0xFFFFFE70  }
0x66: {  	[tilespmem:s16], [sflag:$0x2] =	stream.indirect.gather [hbm4b:s3+s9], $0x40, s11, s9, $0xb8;
	[tilespmem:$0x19640] =	vst v63  }
0x67: {  	_ =	swait.ge [sflag:s17], $0x6400  }
0x68: {  	s22 =	rddreg [dreg:$0x1e]  }
0x69: {  	s23 =	rddreg [dreg:$0x1d]  }
0x6a: {  	s24 =	rddreg [dreg:$0x1f]  }
0x6b: {  	[sflag:s17] =	ssyncset.done $0x0;
	s25 =	sld [smem:$0x7DE]  }
0x6c: {  	s6 =	sld [smem:$0x7DF];
	[sflag:s17] =	ssyncadd.s32 $0xFFFF9C00;
	s22 =	sadd.s32 $0x0, s22  }
0x6d: {  	[hbm4b:s22+s18] =	stream.strided.scatter [tilespmem:s13], [sflag:$0x3], $0xC80, s19, s18, $0x38;
	[tilespmem:$0x19640] =	vst v63  }
0x6e: {  	s8 =	sld [smem:$0x7E1];
	s26 =	sadd.s32 $0x380, s22  }
0x6f: {  	[hbm4b:s26+s18] =	stream.strided.scatter [tilespmem:s24], [sflag:$0x3], $0xC80, s19, s18, $0x38;
	[tilespmem:$0x19640] =	vst v63  }
0x70: {  	s29 =	rddreg [dreg:$0x1c];
	s7 =	sadd.s32 $0x700, s22  }
0x71: {  	[hbm4b:s7+s18] =	stream.strided.scatter [tilespmem:s25], [sflag:$0x3], $0xC80, s19, s18, $0x38;
	[tilespmem:$0x19640] =	vst v63  }
0x72: {  	s30 =	sld [smem:$0x7E2];
	s28 =	sadd.s32 $0xA80, s22  }
0x73: {  	[hbm4b:s28+s18] =	stream.strided.scatter [tilespmem:s6], [sflag:$0x3], $0xC80, s19, s18, $0x38;
	[tilespmem:$0x19640] =	vst v63  }
0x74: {  	s31 =	sld [smem:$0x7E3];
	s22 =	sadd.s32 $0xE00, s22  }
0x75: {  	[hbm4b:s22+s18] =	stream.strided.scatter [tilespmem:s8], [sflag:$0x3], $0xC80, s19, s18, $0x38;
	[tilespmem:$0x19640] =	vst v63  }
0x76: {  	s23 =	sadd.s32 $0x0, s23;
	s6 =	rddreg [dreg:$0x1b]  }
0x77: {  	[hbm4b:s23+s18] =	stream.strided.scatter [tilespmem:s30], [sflag:$0x3], $0xC80, s19, s18, $0x38;
	[tilespmem:$0x19640] =	vst v63  }
0x78: {  	s7 =	sadd.s32 $0x0, s29;
	s8 =	sld [smem:$0x7E5]  }
0x79: {  	[hbm4b:s7+s18] =	stream.strided.scatter [tilespmem:s31], [sflag:$0x3], $0xC80, s19, s18, $0x38;
	[tilespmem:$0x19640] =	vst v63  }
0x7a: {  	s25 =	sadd.s32 $0x0, s6  }
0x7b: {  	[hbm4b:s25+s18] =	stream.strided.scatter [tilespmem:s8], [sflag:$0x3], $0xC80, s19, s18, $0x38;
	[tilespmem:$0x19640] =	vst v63  }
0x7c: {  	_ =	swait.ge [sflag:s17], $0x6400  }
0x7d: {  	s22 =	rddreg [dreg:$0x14]  }
0x7e: {  	s26 =	rddreg [dreg:$0x1a]  }
0x7f: {  	s28 =	sld [smem:$0x7E6]  }
0x80: {  	s29 =	rddreg [dreg:$0x19]  }
0x81: {  	s30 =	rddreg [dreg:$0x18]  }
0x82: {  	s31 =	sld [smem:$0x7E7]  }
0x83: {  	[sflag:s17] =	ssyncset.done $0x0;
	s6 =	rddreg [dreg:$0x17]  }
0x84: {  	s8 =	sld [smem:$0x7E9];
	[sflag:s17] =	ssyncadd.s32 $0xFFFF9C00  }
0x85: {  	s23 =	sadd.s32 $0x0, s26;
	s25 =	sadd.s32 $0x0, s29;
	s29 =	sld [smem:$0x7EA]  }
0x86: {  	[hbm4b:s23+s18] =	stream.strided.scatter [tilespmem:s14], [sflag:$0x3], $0xC80, s19, s18, $0x38;
	[tilespmem:$0x19640] =	vst v63  }
0x87: {  	s7 =	sadd.s32 $0x0, s30;
	s30 =	rddreg [dreg:$0x15]  }
0x88: {  	[hbm4b:s25+s18] =	stream.strided.scatter [tilespmem:s28], [sflag:$0x3], $0xC80, s19, s18, $0x38;
	[tilespmem:$0x19640] =	vst v63  }
0x89: {  	s24 =	sadd.s32 $0x0, s6;
	s6 =	rddreg [dreg:$0x13]  }
0x8a: {  	[hbm4b:s7+s18] =	stream.strided.scatter [tilespmem:s31], [sflag:$0x3], $0xC80, s19, s18, $0x38;
	[tilespmem:$0x19640] =	vst v63  }
0x8b: {  	s28 =	rddreg [dreg:$0x16]  }
0x8c: {  	[hbm4b:s24+s18] =	stream.strided.scatter [tilespmem:s8], [sflag:$0x3], $0xC80, s19, s18, $0x38;
	[tilespmem:$0x19640] =	vst v63  }
0x8d: {  	s23 =	sadd.s32 $0x0, s28;
	s31 =	sld [smem:$0x7EB]  }
0x8e: {  	[hbm4b:s23+s18] =	stream.strided.scatter [tilespmem:s29], [sflag:$0x3], $0xC80, s19, s18, $0x38;
	[tilespmem:$0x19640] =	vst v63  }
0x8f: {  	s7 =	sld [smem:$0x7ED];
	s24 =	sadd.s32 $0x0, s30  }
0x90: {  	[hbm4b:s24+s18] =	stream.strided.scatter [tilespmem:s31], [sflag:$0x3], $0xC80, s19, s18, $0x38;
	[tilespmem:$0x19640] =	vst v63  }
0x91: {  	s22 =	sadd.s32 $0x0, s22;
	s8 =	sld [smem:$0x7EE]  }
0x92: {  	[hbm4b:s22+s18] =	stream.strided.scatter [tilespmem:s7], [sflag:$0x3], $0xC80, s19, s18, $0x38;
	[tilespmem:$0x19640] =	vst v63  }
0x93: {  	s26 =	sadd.s32 $0x0, s6  }
0x94: {  	[hbm4b:s26+s18] =	stream.strided.scatter [tilespmem:s8], [sflag:$0x3], $0xC80, s19, s18, $0x38;
	[tilespmem:$0x19640] =	vst v63  }
0x95: {  	_ =	swait.ge [sflag:s17], $0x6400  }
0x96: {  	s28 =	sld [smem:$0x7EF]  }
0x97: {  	s29 =	rddreg [dreg:$0x12]  }
0x98: {  	s30 =	rddreg [dreg:$0x10]  }
0x99: {  	s31 =	rddreg [dreg:$0x11]  }
0x9a: {  	s6 =	sld [smem:$0x7F2]  }
0x9b: {  	s7 =	sld [smem:$0x7F1]  }
0x9c: {  	s22 =	rddreg [dreg:$0xb]  }
0x9d: {  	[sflag:s17] =	ssyncset.done $0x0;
	s8 =	rddreg [dreg:$0xf]  }
0x9e: {  	[sflag:s17] =	ssyncadd.s32 $0xFFFF9C00;
	s23 =	sadd.s32 $0x0, s29;
	s29 =	sld [smem:$0x7F3]  }
0x9f: {  	[hbm4b:s23+s18] =	stream.strided.scatter [tilespmem:s15], [sflag:$0x3], $0xC80, s19, s18, $0x38;
	[tilespmem:$0x19640] =	vst v63  }
0xa0: {  	s25 =	sadd.s32 $0x0, s31;
	s24 =	sadd.s32 $0x0, s30;
	s30 =	rddreg [dreg:$0xd]  }
0xa1: {  	[hbm4b:s25+s18] =	stream.strided.scatter [tilespmem:s28], [sflag:$0x3], $0xC80, s19, s18, $0x38;
	[tilespmem:$0x19640] =	vst v63  }
0xa2: {  	s31 =	sld [smem:$0x7F4]  }
0xa3: {  	[hbm4b:s24+s18] =	stream.strided.scatter [tilespmem:s7], [sflag:$0x3], $0xC80, s19, s18, $0x38;
	[tilespmem:$0x19640] =	vst v63  }
0xa4: {  	s28 =	rddreg [dreg:$0xe];
	s25 =	sadd.s32 $0x0, s8  }
0xa5: {  	[hbm4b:s25+s18] =	stream.strided.scatter [tilespmem:s6], [sflag:$0x3], $0xC80, s19, s18, $0x38;
	[tilespmem:$0x19640] =	vst v63  }
0xa6: {  	s8 =	sld [smem:$0x7F5];
	s23 =	sadd.s32 $0x0, s28  }
0xa7: {  	[hbm4b:s23+s18] =	stream.strided.scatter [tilespmem:s29], [sflag:$0x3], $0xC80, s19, s18, $0x38;
	[tilespmem:$0x19640] =	vst v63  }
0xa8: {  	s7 =	sadd.s32 $0x0, s30;
	s6 =	rddreg [dreg:$0xc]  }
0xa9: {  	[hbm4b:s7+s18] =	stream.strided.scatter [tilespmem:s31], [sflag:$0x3], $0xC80, s19, s18, $0x38;
	[tilespmem:$0x19640] =	vst v63  }
0xaa: {  	s28 =	sld [smem:$0x7F6];
	s23 =	sadd.s32 $0x0, s6  }
0xab: {  	[hbm4b:s23+s18] =	stream.strided.scatter [tilespmem:s8], [sflag:$0x3], $0xC80, s19, s18, $0x38;
	[tilespmem:$0x19640] =	vst v63  }
0xac: {  	s22 =	sadd.s32 $0x0, s22  }
0xad: {  	[hbm4b:s22+s18] =	stream.strided.scatter [tilespmem:s28], [sflag:$0x3], $0xC80, s19, s18, $0x38;
	[tilespmem:$0x19640] =	vst v63  }
0xae: {  	_ =	swait.ge [sflag:s17], $0x6400  }
0xaf: {  	s22 =	sld [smem:$0x7F8]  }
0xb0: {  	s29 =	rddreg [dreg:$0xa]  }
0xb1: {  	s30 =	rddreg [dreg:$0x8]  }
0xb2: {  	s31 =	rddreg [dreg:$0x9]  }
0xb3: {  	s6 =	sld [smem:$0x7F7]  }
0xb4: {  	s8 =	rddreg [dreg:$0x7]  }
0xb5: {  	s28 =	sld [smem:$0x7F9]  }
0xb6: {  	[sflag:s17] =	ssyncset.done $0x0;
	s23 =	sadd.s32 $0x0, s29;
	s29 =	sld [smem:$0x7FA]  }
0xb7: {  	[sflag:s17] =	ssyncadd.s32 $0xFFFF9C00;
	s7 =	sadd.s32 $0x0, s31;
	s31 =	rddreg [dreg:$0x6]  }
0xb8: {  	[hbm4b:s23+s18] =	stream.strided.scatter [tilespmem:s16], [sflag:$0x3], $0xC80, s19, s18, $0x38;
	[tilespmem:$0x19640] =	vst v63  }
0xb9: {  	s24 =	sadd.s32 $0x0, s30;
	s30 =	sadd.s32 $0x0, s8;
	s8 =	rddreg [dreg:$0x4]  }
0xba: {  	[hbm4b:s7+s18] =	stream.strided.scatter [tilespmem:s6], [sflag:$0x3], $0xC80, s19, s18, $0x38;
	[tilespmem:$0x19640] =	vst v63  }
0xbb: {  	s23 =	sld [smem:$0x7FC]  }
0xbc: {  	[hbm4b:s24+s18] =	stream.strided.scatter [tilespmem:s22], [sflag:$0x3], $0xC80, s19, s18, $0x38;
	[tilespmem:$0x19640] =	vst v63  }
0xbd: {  	s6 =	sld [smem:$0x7FB]  }
0xbe: {  	[hbm4b:s30+s18] =	stream.strided.scatter [tilespmem:s28], [sflag:$0x3], $0xC80, s19, s18, $0x38;
	[tilespmem:$0x19640] =	vst v63  }
0xbf: {  	s25 =	sadd.s32 $0x0, s31;
	s7 =	rddreg [dreg:$0x5]  }
0xc0: {  	[hbm4b:s25+s18] =	stream.strided.scatter [tilespmem:s29], [sflag:$0x3], $0xC80, s19, s18, $0x38;
	[tilespmem:$0x19640] =	vst v63  }
0xc1: {  	s28 =	sadd.s32 $0x0, s7;
	s30 =	sld [smem:$0x7FD]  }
0xc2: {  	[hbm4b:s28+s18] =	stream.strided.scatter [tilespmem:s6], [sflag:$0x3], $0xC80, s19, s18, $0x38;
	[tilespmem:$0x19640] =	vst v63  }
0xc3: {  	s22 =	sadd.s32 $0x0, s8;
	s29 =	rddreg [dreg:$0x3]  }
0xc4: {  	[hbm4b:s22+s18] =	stream.strided.scatter [tilespmem:s23], [sflag:$0x3], $0xC80, s19, s18, $0x38;
	[tilespmem:$0x19640] =	vst v63  }
0xc5: {  	s31 =	sadd.s32 $0x0, s29  }
0xc6: {  	[hbm4b:s31+s18] =	stream.strided.scatter [tilespmem:s30], [sflag:$0x3], $0xC80, s19, s18, $0x38;
	[tilespmem:$0x19640] =	vst v63  }
0xc7: {  	_ =	swait.ge [sflag:s20], $0xC80  }
0xc8: {  	[sflag:s20] =	ssyncset.done $0x0  }
0xc9: {  	[sflag:s20] =	ssyncadd.s32 $0xFFFFF380  }
0xca: {  	_ =	swait.ge [sflag:s20], $0xC80  }
0xcb: {  	[sflag:s20] =	ssyncset.done $0x0  }
0xcc: {  	[sflag:s20] =	ssyncadd.s32 $0xFFFFF380  }
0xcd: {  	_ =	swait.ge [sflag:s20], $0xC80  }
0xce: {  	[sflag:s20] =	ssyncset.done $0x0  }
0xcf: {  	[sflag:s20] =	ssyncadd.s32 $0xFFFFF380  }
0xd0: {  	_ =	swait.ge [sflag:s20], $0xC80  }
0xd1: {  	[sflag:s20] =	ssyncset.done $0x0  }
0xd2: {  	[sflag:s20] =	ssyncadd.s32 $0xFFFFF380  }
0xd3: {  	_ =	swait.ge [sflag:s20], $0xC80  }
0xd4: {  	[sflag:s20] =	ssyncset.done $0x0  }
0xd5: {  	[sflag:s20] =	ssyncadd.s32 $0xFFFFF380  }
0xd6: {  	_ =	swait.ge [sflag:s20], $0xC80  }
0xd7: {  	[sflag:s20] =	ssyncset.done $0x0  }
0xd8: {  	[sflag:s20] =	ssyncadd.s32 $0xFFFFF380  }
0xd9: {  	_ =	swait.ge [sflag:s20], $0xC80  }
0xda: {  	[sflag:s20] =	ssyncset.done $0x0  }
0xdb: {  	[sflag:s20] =	ssyncadd.s32 $0xFFFFF380  }
0xdc: {  	_ =	swait.ge [sflag:s20], $0xC80  }
0xdd: {  	[sflag:s20] =	ssyncset.done $0x0  }
0xde: {  	[sflag:s20] =	ssyncadd.s32 $0xFFFFF380  }
0xdf: {  	_ =	swait.ge [sflag:s20], $0xC80  }
0xe0: {  	[sflag:s20] =	ssyncset.done $0x0  }
0xe1: {  	[sflag:s20] =	ssyncadd.s32 $0xFFFFF380  }
0xe2: {  	_ =	swait.ge [sflag:s20], $0xC80  }
0xe3: {  	[sflag:s20] =	ssyncset.done $0x0  }
0xe4: {  	[sflag:s20] =	ssyncadd.s32 $0xFFFFF380  }
0xe5: {  	_ =	swait.ge [sflag:s20], $0xC80  }
0xe6: {  	[sflag:s20] =	ssyncset.done $0x0  }
0xe7: {  	[sflag:s20] =	ssyncadd.s32 $0xFFFFF380  }
0xe8: {  	_ =	swait.ge [sflag:s20], $0xC80  }
0xe9: {  	[sflag:s20] =	ssyncset.done $0x0  }
0xea: {  	[sflag:s20] =	ssyncadd.s32 $0xFFFFF380  }
0xeb: {  	_ =	swait.ge [sflag:s20], $0xC80  }
0xec: {  	[sflag:s20] =	ssyncset.done $0x0  }
0xed: {  	[sflag:s20] =	ssyncadd.s32 $0xFFFFF380  }
0xee: {  	_ =	swait.ge [sflag:s20], $0xC80  }
0xef: {  	[sflag:s20] =	ssyncset.done $0x0  }
0xf0: {  	[sflag:s20] =	ssyncadd.s32 $0xFFFFF380  }
0xf1: {  	_ =	swait.ge [sflag:s20], $0xC80  }
0xf2: {  	[sflag:s20] =	ssyncset.done $0x0  }
0xf3: {  	[sflag:s20] =	ssyncadd.s32 $0xFFFFF380  }
0xf4: {  	_ =	swait.ge [sflag:s20], $0xC80  }
0xf5: {  	[sflag:s20] =	ssyncset.done $0x0  }
0xf6: {  	[sflag:s20] =	ssyncadd.s32 $0xFFFFF380  }
0xf7: {  	_ =	swait.ge [sflag:s20], $0xC80  }
0xf8: {  	[sflag:s20] =	ssyncset.done $0x0  }
0xf9: {  	[sflag:s20] =	ssyncadd.s32 $0xFFFFF380  }
0xfa: {  	_ =	swait.ge [sflag:s20], $0xC80  }
0xfb: {  	[sflag:s20] =	ssyncset.done $0x0  }
0xfc: {  	[sflag:s20] =	ssyncadd.s32 $0xFFFFF380  }
0xfd: {  	_ =	swait.ge [sflag:s20], $0xC80  }
0xfe: {  	[sflag:s20] =	ssyncset.done $0x0  }
0xff: {  	[sflag:s20] =	ssyncadd.s32 $0xFFFFF380  }
0x100: {  	_ =	swait.ge [sflag:s20], $0xC80  }
0x101: {  	[sflag:s20] =	ssyncset.done $0x0  }
0x102: {  	[sflag:s20] =	ssyncadd.s32 $0xFFFFF380  }
0x103: {  	_ =	swait.ge [sflag:s20], $0xC80  }
0x104: {  	[sflag:s20] =	ssyncset.done $0x0  }
0x105: {  	[sflag:s20] =	ssyncadd.s32 $0xFFFFF380  }
0x106: {  	_ =	swait.ge [sflag:s20], $0xC80  }
0x107: {  	[sflag:s20] =	ssyncset.done $0x0  }
0x108: {  	[sflag:s20] =	ssyncadd.s32 $0xFFFFF380  }
0x109: {  	_ =	swait.ge [sflag:s20], $0xC80  }
0x10a: {  	[sflag:s20] =	ssyncset.done $0x0  }
0x10b: {  	[sflag:s20] =	ssyncadd.s32 $0xFFFFF380  }
0x10c: {  	_ =	swait.ge [sflag:s20], $0xC80  }
0x10d: {  	[sflag:s20] =	ssyncset.done $0x0  }
0x10e: {  	[sflag:s20] =	ssyncadd.s32 $0xFFFFF380  }
0x10f: {  	_ =	swait.ge [sflag:s20], $0xC80  }
0x110: {  	s26 =	smov.u32 s1;
	[sflag:s20] =	ssyncset.done $0x0  }
0x111: {  	s24 =	sadd.s32 $0xC8, s5;
	s25 =	smov.u32 s0;
	[sflag:s20] =	ssyncadd.s32 $0xFFFFF380  }
0x112: {  	s22 =	simm.s32 $0x7000;
	s23 =	sadd.s32 $0xC8, s4;
	_ =	swait.ge [sflag:s20], $0xC80  }
.LBB2_2:
0x113: {  	[sflag:s20] =	ssyncset.done $0x0  }
0x114: {  	[sflag:s20] =	ssyncadd.s32 $0xFFFFF380  }
0x115: {  	_ =	swait.ge [sflag:s20], $0xC80  }
0x116: {  	[sflag:s20] =	ssyncset.done $0x0  }
0x117: {  	[sflag:s20] =	ssyncadd.s32 $0xFFFFF380  }
0x118: {  	_ =	swait.ge [sflag:s20], $0xC80  }
0x119: {  	[sflag:s20] =	ssyncset.done $0x0  }
0x11a: {  	[sflag:s20] =	ssyncadd.s32 $0xFFFFF380  }
0x11b: {  	_ =	swait.ge [sflag:s20], $0xC80  }
0x11c: {  	[sflag:s20] =	ssyncset.done $0x0  }
0x11d: {  	[sflag:s20] =	ssyncadd.s32 $0xFFFFF380  }
0x11e: {  	_ =	swait.ge [sflag:s20], $0xC80  }
0x11f: {  	[sflag:s20] =	ssyncset.done $0x0  }
0x120: {  	[sflag:s20] =	ssyncadd.s32 $0xFFFFF380  }
0x121: {  	_ =	swait.ge [sflag:s20], $0xC80  }
0x122: {  	[sflag:s20] =	ssyncset.done $0x0  }
0x123: {  	[sflag:s20] =	ssyncadd.s32 $0xFFFFF380  }
0x124: {  	_ =	swait.ge [sflag:s20], $0xC80  }
0x125: {  	[sflag:s20] =	ssyncset.done $0x0  }
0x126: {  	s25 =	sadd.s32 $0xC8, s25;
	[sflag:s20] =	ssyncadd.s32 $0xFFFFF380  }
0x127: {  	[tilespmem:s2], [sflag:$0x1] =	stream.linear.gather [hbm4b:s25+s2], $0x190, $0x38;
	[tilespmem:$0x19640] =	vst v63  }
0x128: {  	_ = 	snop  }
0x129: {  	[tilespmem:s9], [sflag:$0x1] =	stream.linear.gather [hbm4b:s24+s2], $0x190, $0x38;
	[tilespmem:$0x19640] =	vst v63  }
0x12a: {  	_ = 	snop  }
0x12b: {  	[tilespmem:s10], [sflag:$0x1] =	stream.linear.gather [hbm4b:s23+s2], $0x190, $0x38;
	[tilespmem:$0x19640] =	vst v63  }
0x12c: {  	s26 =	sadd.s32 $0xC8, s26  }
0x12d: {  	[tilespmem:s11], [sflag:$0x1] =	stream.linear.gather [hbm4b:s26+s2], $0x190, $0x38;
	[tilespmem:$0x19640] =	vst v63  }
0x12e: {  	_ =	swait.ge [sflag:s12], $0x190  }
0x12f: {  	[sflag:s12] =	ssyncset.done $0x0  }
0x130: {  	[sflag:s12] =	ssyncadd.s32 $0xFFFFFE70  }
0x131: {  	[tilespmem:s13], [sflag:$0x2] =	stream.indirect.gather [hbm4b:s3+s9], $0x40, s2, s9, $0xb8;
	[tilespmem:$0x19640] =	vst v63  }
0x132: {  	_ =	swait.ge [sflag:s12], $0x190  }
0x133: {  	[sflag:s12] =	ssyncset.done $0x0  }
0x134: {  	[sflag:s12] =	ssyncadd.s32 $0xFFFFFE70  }
0x135: {  	[tilespmem:s14], [sflag:$0x2] =	stream.indirect.gather [hbm4b:s3+s9], $0x40, s9, s9, $0xb8;
	[tilespmem:$0x19640] =	vst v63  }
0x136: {  	_ =	swait.ge [sflag:s12], $0x190  }
0x137: {  	[sflag:s12] =	ssyncset.done $0x0  }
0x138: {  	[sflag:s12] =	ssyncadd.s32 $0xFFFFFE70  }
0x139: {  	[tilespmem:s15], [sflag:$0x2] =	stream.indirect.gather [hbm4b:s3+s9], $0x40, s10, s9, $0xb8;
	[tilespmem:$0x19640] =	vst v63  }
0x13a: {  	_ =	swait.ge [sflag:s12], $0x190  }
0x13b: {  	[sflag:s12] =	ssyncset.done $0x0  }
0x13c: {  	[sflag:s12] =	ssyncadd.s32 $0xFFFFFE70  }
0x13d: {  	[tilespmem:s16], [sflag:$0x2] =	stream.indirect.gather [hbm4b:s3+s9], $0x40, s11, s9, $0xb8;
	[tilespmem:$0x19640] =	vst v63  }
0x13e: {  	_ =	swait.ge [sflag:s17], $0x6400  }
0x13f: {  	s29 =	rddreg [dreg:$0x1e]  }
0x140: {  	s30 =	rddreg [dreg:$0x1d]  }
0x141: {  	s31 =	rddreg [dreg:$0x1f]  }
0x142: {  	s28 =	smov.u32 s22;
	[sflag:s17] =	ssyncset.done $0x0;
	s1 =	rddreg [dreg:$0x1c]  }
0x143: {  	s0 =	sld [smem:$0x7DE];
	[sflag:s17] =	ssyncadd.s32 $0xFFFF9C00;
	s29 =	sadd.s32 s28, s29  }
0x144: {  	[hbm4b:s29+s18] =	stream.strided.scatter [tilespmem:s13], [sflag:$0x3], $0xC80, s19, s18, $0x38;
	[tilespmem:$0x19640] =	vst v63  }
0x145: {  	s5 =	sld [smem:$0x7DF];
	s4 =	sadd.s32 $0x380, s29  }
0x146: {  	[hbm4b:s4+s18] =	stream.strided.scatter [tilespmem:s31], [sflag:$0x3], $0xC80, s19, s18, $0x38;
	[tilespmem:$0x19640] =	vst v63  }
0x147: {  	s6 =	sadd.s32 s28, s30;
	s30 =	rddreg [dreg:$0x1b];
	s7 =	sadd.s32 $0x700, s29  }
0x148: {  	[hbm4b:s7+s18] =	stream.strided.scatter [tilespmem:s0], [sflag:$0x3], $0xC80, s19, s18, $0x38;
	[tilespmem:$0x19640] =	vst v63  }
0x149: {  	s8 =	sadd.s32 $0xA80, s29;
	s31 =	sld [smem:$0x7E1]  }
0x14a: {  	[hbm4b:s8+s18] =	stream.strided.scatter [tilespmem:s5], [sflag:$0x3], $0xC80, s19, s18, $0x38;
	[tilespmem:$0x19640] =	vst v63  }
0x14b: {  	s4 =	sld [smem:$0x7E2];
	s5 =	sadd.s32 $0xE00, s29  }
0x14c: {  	[hbm4b:s5+s18] =	stream.strided.scatter [tilespmem:s31], [sflag:$0x3], $0xC80, s19, s18, $0x38;
	[tilespmem:$0x19640] =	vst v63  }
0x14d: {  	s7 =	sld [smem:$0x7E3]  }
0x14e: {  	[hbm4b:s6+s18] =	stream.strided.scatter [tilespmem:s4], [sflag:$0x3], $0xC80, s19, s18, $0x38;
	[tilespmem:$0x19640] =	vst v63  }
0x14f: {  	s8 =	sadd.s32 s28, s1;
	s31 =	sld [smem:$0x7E5]  }
0x150: {  	[hbm4b:s8+s18] =	stream.strided.scatter [tilespmem:s7], [sflag:$0x3], $0xC80, s19, s18, $0x38;
	[tilespmem:$0x19640] =	vst v63  }
0x151: {  	s5 =	sadd.s32 s28, s30  }
0x152: {  	[hbm4b:s5+s18] =	stream.strided.scatter [tilespmem:s31], [sflag:$0x3], $0xC80, s19, s18, $0x38;
	[tilespmem:$0x19640] =	vst v63  }
0x153: {  	_ =	swait.ge [sflag:s17], $0x6400  }
0x154: {  	s0 =	rddreg [dreg:$0x14]  }
0x155: {  	s1 =	sld [smem:$0x7E6]  }
0x156: {  	s6 =	rddreg [dreg:$0x18]  }
0x157: {  	s5 =	rddreg [dreg:$0x13]  }
0x158: {  	s29 =	rddreg [dreg:$0x19]  }
0x159: {  	s7 =	rddreg [dreg:$0x1a]  }
0x15a: {  	s8 =	rddreg [dreg:$0x17]  }
0x15b: {  	[sflag:s17] =	ssyncset.done $0x0;
	s4 =	sadd.s32 s28, s6;
	s6 =	rddreg [dreg:$0x16]  }
0x15c: {  	[sflag:s17] =	ssyncadd.s32 $0xFFFF9C00;
	s30 =	sadd.s32 s28, s7;
	s7 =	sld [smem:$0x7E7]  }
0x15d: {  	[hbm4b:s30+s18] =	stream.strided.scatter [tilespmem:s14], [sflag:$0x3], $0xC80, s19, s18, $0x38;
	[tilespmem:$0x19640] =	vst v63  }
0x15e: {  	s29 =	sadd.s32 s28, s29;
	s31 =	sadd.s32 s28, s8;
	s8 =	sld [smem:$0x7EA]  }
0x15f: {  	[hbm4b:s29+s18] =	stream.strided.scatter [tilespmem:s1], [sflag:$0x3], $0xC80, s19, s18, $0x38;
	[tilespmem:$0x19640] =	vst v63  }
0x160: {  	s30 =	sld [smem:$0x7E9]  }
0x161: {  	[hbm4b:s4+s18] =	stream.strided.scatter [tilespmem:s7], [sflag:$0x3], $0xC80, s19, s18, $0x38;
	[tilespmem:$0x19640] =	vst v63  }
0x162: {  	s1 =	rddreg [dreg:$0x15]  }
0x163: {  	[hbm4b:s31+s18] =	stream.strided.scatter [tilespmem:s30], [sflag:$0x3], $0xC80, s19, s18, $0x38;
	[tilespmem:$0x19640] =	vst v63  }
0x164: {  	s29 =	sld [smem:$0x7EB];
	s7 =	sadd.s32 s28, s6  }
0x165: {  	[hbm4b:s7+s18] =	stream.strided.scatter [tilespmem:s8], [sflag:$0x3], $0xC80, s19, s18, $0x38;
	[tilespmem:$0x19640] =	vst v63  }
0x166: {  	s1 =	sadd.s32 s28, s1;
	s31 =	sld [smem:$0x7ED]  }
0x167: {  	[hbm4b:s1+s18] =	stream.strided.scatter [tilespmem:s29], [sflag:$0x3], $0xC80, s19, s18, $0x38;
	[tilespmem:$0x19640] =	vst v63  }
0x168: {  	s0 =	sadd.s32 s28, s0;
	s8 =	sld [smem:$0x7EE]  }
0x169: {  	[hbm4b:s0+s18] =	stream.strided.scatter [tilespmem:s31], [sflag:$0x3], $0xC80, s19, s18, $0x38;
	[tilespmem:$0x19640] =	vst v63  }
0x16a: {  	s29 =	sadd.s32 s28, s5  }
0x16b: {  	[hbm4b:s29+s18] =	stream.strided.scatter [tilespmem:s8], [sflag:$0x3], $0xC80, s19, s18, $0x38;
	[tilespmem:$0x19640] =	vst v63  }
0x16c: {  	_ =	swait.ge [sflag:s17], $0x6400  }
0x16d: {  	s0 =	sld [smem:$0x7EF]  }
0x16e: {  	s30 =	rddreg [dreg:$0x10]  }
0x16f: {  	s4 =	sld [smem:$0x7F2]  }
0x170: {  	s5 =	rddreg [dreg:$0xb]  }
0x171: {  	s6 =	rddreg [dreg:$0x11]  }
0x172: {  	s31 =	rddreg [dreg:$0x12]  }
0x173: {  	[sflag:s17] =	ssyncset.done $0x0;
	s8 =	rddreg [dreg:$0xf]  }
0x174: {  	s29 =	rddreg [dreg:$0xe];
	[sflag:s17] =	ssyncadd.s32 $0xFFFF9C00  }
0x175: {  	s1 =	sadd.s32 s28, s30;
	s7 =	sadd.s32 s28, s31;
	s30 =	sld [smem:$0x7F1]  }
0x176: {  	[hbm4b:s7+s18] =	stream.strided.scatter [tilespmem:s15], [sflag:$0x3], $0xC80, s19, s18, $0x38;
	[tilespmem:$0x19640] =	vst v63  }
0x177: {  	s6 =	sadd.s32 s28, s6;
	s31 =	sld [smem:$0x7F3]  }
0x178: {  	[hbm4b:s6+s18] =	stream.strided.scatter [tilespmem:s0], [sflag:$0x3], $0xC80, s19, s18, $0x38;
	[tilespmem:$0x19640] =	vst v63  }
0x179: {  	s7 =	sadd.s32 s28, s29;
	s29 =	rddreg [dreg:$0xc]  }
0x17a: {  	[hbm4b:s1+s18] =	stream.strided.scatter [tilespmem:s30], [sflag:$0x3], $0xC80, s19, s18, $0x38;
	[tilespmem:$0x19640] =	vst v63  }
0x17b: {  	s6 =	sadd.s32 s28, s8;
	s8 =	rddreg [dreg:$0xd]  }
0x17c: {  	[hbm4b:s6+s18] =	stream.strided.scatter [tilespmem:s4], [sflag:$0x3], $0xC80, s19, s18, $0x38;
	[tilespmem:$0x19640] =	vst v63  }
0x17d: {  	s1 =	sld [smem:$0x7F4]  }
0x17e: {  	[hbm4b:s7+s18] =	stream.strided.scatter [tilespmem:s31], [sflag:$0x3], $0xC80, s19, s18, $0x38;
	[tilespmem:$0x19640] =	vst v63  }
0x17f: {  	s8 =	sadd.s32 s28, s8;
	s30 =	sld [smem:$0x7F5]  }
0x180: {  	[hbm4b:s8+s18] =	stream.strided.scatter [tilespmem:s1], [sflag:$0x3], $0xC80, s19, s18, $0x38;
	[tilespmem:$0x19640] =	vst v63  }
0x181: {  	s31 =	sadd.s32 s28, s29;
	s1 =	sld [smem:$0x7F6]  }
0x182: {  	[hbm4b:s31+s18] =	stream.strided.scatter [tilespmem:s30], [sflag:$0x3], $0xC80, s19, s18, $0x38;
	[tilespmem:$0x19640] =	vst v63  }
0x183: {  	s4 =	sadd.s32 s28, s5  }
0x184: {  	[hbm4b:s4+s18] =	stream.strided.scatter [tilespmem:s1], [sflag:$0x3], $0xC80, s19, s18, $0x38;
	[tilespmem:$0x19640] =	vst v63  }
0x185: {  	_ =	swait.ge [sflag:s17], $0x6400  }
0x186: {  	s0 =	sld [smem:$0x7F8]  }
0x187: {  	s5 =	rddreg [dreg:$0x8]  }
0x188: {  	s6 =	rddreg [dreg:$0x9]  }
0x189: {  	s7 =	sld [smem:$0x7F7]  }
0x18a: {  	s30 =	rddreg [dreg:$0xa]  }
0x18b: {  	s31 =	rddreg [dreg:$0x7]  }
0x18c: {  	[sflag:s17] =	ssyncset.done $0x0;
	s8 =	sld [smem:$0x7FC]  }
0x18d: {  	s29 =	sld [smem:$0x7FB];
	[sflag:s17] =	ssyncadd.s32 $0xFFFF9C00  }
0x18e: {  	s4 =	sadd.s32 s28, s6;
	s6 =	sadd.s32 s28, s30;
	s30 =	sld [smem:$0x7FA]  }
0x18f: {  	[hbm4b:s6+s18] =	stream.strided.scatter [tilespmem:s16], [sflag:$0x3], $0xC80, s19, s18, $0x38;
	[tilespmem:$0x19640] =	vst v63  }
0x190: {  	s1 =	sadd.s32 s28, s5;
	s5 =	sadd.s32 s28, s31;
	s31 =	rddreg [dreg:$0x5]  }
0x191: {  	[hbm4b:s4+s18] =	stream.strided.scatter [tilespmem:s7], [sflag:$0x3], $0xC80, s19, s18, $0x38;
	[tilespmem:$0x19640] =	vst v63  }
0x192: {  	s6 =	sld [smem:$0x7F9]  }
0x193: {  	[hbm4b:s1+s18] =	stream.strided.scatter [tilespmem:s0], [sflag:$0x3], $0xC80, s19, s18, $0x38;
	[tilespmem:$0x19640] =	vst v63  }
0x194: {  	s7 =	rddreg [dreg:$0x6]  }
0x195: {  	[hbm4b:s5+s18] =	stream.strided.scatter [tilespmem:s6], [sflag:$0x3], $0xC80, s19, s18, $0x38;
	[tilespmem:$0x19640] =	vst v63  }
0x196: {  	s5 =	sadd.s32 s28, s7;
	s6 =	rddreg [dreg:$0x4]  }
0x197: {  	[hbm4b:s5+s18] =	stream.strided.scatter [tilespmem:s30], [sflag:$0x3], $0xC80, s19, s18, $0x38;
	[tilespmem:$0x19640] =	vst v63  }
0x198: {  	s0 =	sadd.s32 s28, s31;
	s7 =	rddreg [dreg:$0x3]  }
0x199: {  	[hbm4b:s0+s18] =	stream.strided.scatter [tilespmem:s29], [sflag:$0x3], $0xC80, s19, s18, $0x38;
	[tilespmem:$0x19640] =	vst v63  }
0x19a: {  	s30 =	sld [smem:$0x7FD];
	s29 =	sadd.s32 s28, s6  }
0x19b: {  	[hbm4b:s29+s18] =	stream.strided.scatter [tilespmem:s8], [sflag:$0x3], $0xC80, s19, s18, $0x38;
	[tilespmem:$0x19640] =	vst v63  }
0x19c: {  	s31 =	sadd.s32 s28, s7  }
0x19d: {  	[hbm4b:s31+s18] =	stream.strided.scatter [tilespmem:s30], [sflag:$0x3], $0xC80, s19, s18, $0x38;
	[tilespmem:$0x19640] =	vst v63  }
0x19e: {  	_ =	swait.ge [sflag:s20], $0xC80  }
0x19f: {  	[sflag:s20] =	ssyncset.done $0x0  }
0x1a0: {  	[sflag:s20] =	ssyncadd.s32 $0xFFFFF380  }
0x1a1: {  	_ =	swait.ge [sflag:s20], $0xC80  }
0x1a2: {  	[sflag:s20] =	ssyncset.done $0x0  }
0x1a3: {  	[sflag:s20] =	ssyncadd.s32 $0xFFFFF380  }
0x1a4: {  	_ =	swait.ge [sflag:s20], $0xC80  }
0x1a5: {  	[sflag:s20] =	ssyncset.done $0x0  }
0x1a6: {  	[sflag:s20] =	ssyncadd.s32 $0xFFFFF380  }
0x1a7: {  	_ =	swait.ge [sflag:s20], $0xC80  }
0x1a8: {  	[sflag:s20] =	ssyncset.done $0x0  }
0x1a9: {  	[sflag:s20] =	ssyncadd.s32 $0xFFFFF380  }
0x1aa: {  	_ =	swait.ge [sflag:s20], $0xC80  }
0x1ab: {  	[sflag:s20] =	ssyncset.done $0x0  }
0x1ac: {  	[sflag:s20] =	ssyncadd.s32 $0xFFFFF380  }
0x1ad: {  	_ =	swait.ge [sflag:s20], $0xC80  }
0x1ae: {  	[sflag:s20] =	ssyncset.done $0x0  }
0x1af: {  	[sflag:s20] =	ssyncadd.s32 $0xFFFFF380  }
0x1b0: {  	_ =	swait.ge [sflag:s20], $0xC80  }
0x1b1: {  	[sflag:s20] =	ssyncset.done $0x0  }
0x1b2: {  	[sflag:s20] =	ssyncadd.s32 $0xFFFFF380  }
0x1b3: {  	_ =	swait.ge [sflag:s20], $0xC80  }
0x1b4: {  	[sflag:s20] =	ssyncset.done $0x0  }
0x1b5: {  	[sflag:s20] =	ssyncadd.s32 $0xFFFFF380  }
0x1b6: {  	_ =	swait.ge [sflag:s20], $0xC80  }
0x1b7: {  	[sflag:s20] =	ssyncset.done $0x0  }
0x1b8: {  	[sflag:s20] =	ssyncadd.s32 $0xFFFFF380  }
0x1b9: {  	_ =	swait.ge [sflag:s20], $0xC80  }
0x1ba: {  	[sflag:s20] =	ssyncset.done $0x0  }
0x1bb: {  	[sflag:s20] =	ssyncadd.s32 $0xFFFFF380  }
0x1bc: {  	_ =	swait.ge [sflag:s20], $0xC80  }
0x1bd: {  	[sflag:s20] =	ssyncset.done $0x0  }
0x1be: {  	[sflag:s20] =	ssyncadd.s32 $0xFFFFF380  }
0x1bf: {  	_ =	swait.ge [sflag:s20], $0xC80  }
0x1c0: {  	[sflag:s20] =	ssyncset.done $0x0  }
0x1c1: {  	[sflag:s20] =	ssyncadd.s32 $0xFFFFF380  }
0x1c2: {  	_ =	swait.ge [sflag:s20], $0xC80  }
0x1c3: {  	[sflag:s20] =	ssyncset.done $0x0  }
0x1c4: {  	[sflag:s20] =	ssyncadd.s32 $0xFFFFF380  }
0x1c5: {  	_ =	swait.ge [sflag:s20], $0xC80  }
0x1c6: {  	[sflag:s20] =	ssyncset.done $0x0  }
0x1c7: {  	[sflag:s20] =	ssyncadd.s32 $0xFFFFF380  }
0x1c8: {  	_ =	swait.ge [sflag:s20], $0xC80  }
0x1c9: {  	[sflag:s20] =	ssyncset.done $0x0  }
0x1ca: {  	[sflag:s20] =	ssyncadd.s32 $0xFFFFF380  }
0x1cb: {  	_ =	swait.ge [sflag:s20], $0xC80  }
0x1cc: {  	[sflag:s20] =	ssyncset.done $0x0  }
0x1cd: {  	[sflag:s20] =	ssyncadd.s32 $0xFFFFF380  }
0x1ce: {  	_ =	swait.ge [sflag:s20], $0xC80  }
0x1cf: {  	[sflag:s20] =	ssyncset.done $0x0  }
0x1d0: {  	[sflag:s20] =	ssyncadd.s32 $0xFFFFF380  }
0x1d1: {  	_ =	swait.ge [sflag:s20], $0xC80  }
0x1d2: {  	[sflag:s20] =	ssyncset.done $0x0  }
0x1d3: {  	[sflag:s20] =	ssyncadd.s32 $0xFFFFF380  }
0x1d4: {  	_ =	swait.ge [sflag:s20], $0xC80  }
0x1d5: {  	[sflag:s20] =	ssyncset.done $0x0  }
0x1d6: {  	[sflag:s20] =	ssyncadd.s32 $0xFFFFF380  }
0x1d7: {  	_ =	swait.ge [sflag:s20], $0xC80  }
0x1d8: {  	[sflag:s20] =	ssyncset.done $0x0  }
0x1d9: {  	[sflag:s20] =	ssyncadd.s32 $0xFFFFF380  }
0x1da: {  	_ =	swait.ge [sflag:s20], $0xC80  }
0x1db: {  	[sflag:s20] =	ssyncset.done $0x0  }
0x1dc: {  	[sflag:s20] =	ssyncadd.s32 $0xFFFFF380  }
0x1dd: {  	_ =	swait.ge [sflag:s20], $0xC80  }
0x1de: {  	[sflag:s20] =	ssyncset.done $0x0  }
0x1df: {  	[sflag:s20] =	ssyncadd.s32 $0xFFFFF380  }
0x1e0: {  	_ =	swait.ge [sflag:s20], $0xC80  }
0x1e1: {  	[sflag:s20] =	ssyncset.done $0x0  }
0x1e2: {  	[sflag:s20] =	ssyncadd.s32 $0xFFFFF380  }
0x1e3: {  	_ =	swait.ge [sflag:s20], $0xC80  }
0x1e4: {  	p0 =	sne.s32 s22, $0x69000;
	[sflag:s20] =	ssyncset.done $0x0  }
.Ltmp0:
0x1e5: {  	[sflag:s20] =	ssyncadd.s32 $0xFFFFF380;
	(pc) =	sbr.rel @p0 .LBB2_2-.Ltmp0, $4  }
0x1e6: {  	_ =	swait.ge [sflag:s20], $0xC80  }
0x1e7: {  	[sflag:s20] =	ssyncset.done $0x0  }
0x1e8: {  	s22 =	sadd.s32 $0x7000, s22;
	[sflag:s20] =	ssyncadd.s32 $0xFFFFF380  }
0x1e9: {  	s24 =	sadd.s32 $0xC8, s24;
	s23 =	sadd.s32 $0xC8, s23;
	_ =	swait.ge [sflag:s20], $0xC80  }
0x1ea: {  	[sflag:s20] =	ssyncset.done $0x0  }
0x1eb: {  	[sflag:s20] =	ssyncadd.s32 $0xFFFFF380  }
0x1ec: {  	_ =	swait.ge [sflag:s20], $0xC80  }
0x1ed: {  	[sflag:s20] =	ssyncset.done $0x0  }
0x1ee: {  	[sflag:s20] =	ssyncadd.s32 $0xFFFFF380  }
0x1ef: {  	_ =	swait.ge [sflag:s20], $0xC80  }
0x1f0: {  	[sflag:s20] =	ssyncset.done $0x0  }
0x1f1: {  	[sflag:s20] =	ssyncadd.s32 $0xFFFFF380  }
0x1f2: {  	_ =	swait.ge [sflag:s20], $0xC80  }
0x1f3: {  	[sflag:s20] =	ssyncset.done $0x0  }
0x1f4: {  	[sflag:s20] =	ssyncadd.s32 $0xFFFFF380  }
0x1f5: {  	_ =	swait.ge [sflag:s20], $0xC80  }
0x1f6: {  	[sflag:s20] =	ssyncset.done $0x0  }
0x1f7: {  	[sflag:s20] =	ssyncadd.s32 $0xFFFFF380  }
0x1f8: {  	_ =	swait.ge [sflag:s20], $0xC80  }
0x1f9: {  	[sflag:s20] =	ssyncset.done $0x0  }
0x1fa: {  	[sflag:s20] =	ssyncadd.s32 $0xFFFFF380  }
0x1fb: {  	_ =	swait.ge [sflag:s20], $0xC80  }
0x1fc: {  	s0 =	sld [smem:$0x7E0];
	_ =	sdelay $0x1  }
0x1fd: {  	s21 =	sadd.s32 $0x1, s21  }
0x1fe: {  	p0 =	sne.s32 s21, s0  }
.Ltmp1:
0x1ff: {  	_ = 	snop;
	(pc) =	sbr.rel @p0 .LBB2_1-.Ltmp1, $3  }
0x200: {  	_ =	sdelay $0x1  }
0x201: {  	[sflag:s20] =	ssyncset.done $0x0  }
0x202: {  	[sflag:s20] =	ssyncadd.s32 $0xFFFFF380  }
0x203: {  	_ =	sfence.sel $0x180000  }
0x204: {  	[bflag:$0x0] =	sbarrier.arrive $0xFFFF  }
0x205: {  	_ =	strace $0x90000047  }
0x206: {  	s0 =	stileid.u32;
	[bflag:$0x2] =	sbarrier.arrive $0xFFFF  }
0x207: {  	p0 =	sne.s32 s0, $0x0;
	s0 =	rddreg [dreg:$0x2]  }
0x208: {  	s0 =	sadd.s32 @!p0 $0x100000, s0  }
0x209: {  	[sflag:s0] =	ssyncadd.tile.s32 @!p0 $0x1;
	_ =	shalt  }
.Lfunc_end2:
_tile_overlayer_lowered:
.L_overlay_start_2:
0x20a: {  	(tag) =	ssettag $0x2  }
0x20b: {  	s0 =	rddreg [dreg:$0x0];
	s2 =	stileid.u32  }
0x20c: {  	s1 =	rddreg [dreg:$0x1];
	p0 =	sne.s32 s2, $0x0  }
0x20d: {  	s3 =	rddreg [dreg:$0x2];
	[bflag:$0x3] =	sbarrier.arrive $0xFFFF;
	s2 =	simm.s32 @!p0 $0x1C04  }
0x20e: {  	[timem:s3], [sflag:s2] =	dma.local @!p0 [hbm:s0], s1  }
0x20f: {  	s0 =	simm.s32 @!p0 $0x4  }
0x210: {  	_ =	swait.ge @!p0 [sflag:s0], s1  }
0x211: {  	s1 =	ssub.s32 @!p0 $0x0, s1;
	[sflag:s0] =	ssyncset.done @!p0 $0x0  }
0x212: {  	[sflag:s0] =	ssyncadd.s32 @!p0 s1  }
0x213: {  	[bflag:$0x3] =	sbarrier.arrive $0xFFFF  }
0x214: {  	_ =	shalt  }

// kernel: sparse-core-data-format-call.cloned.1.call-start
scs
called_computation_lowered:
.L_overlay_start_0:
0x0: {  	s2 =	sld [smem:$0x3FD9]  }
0x1: {  	s3 =	sld [smem:$0x3FFE];
	_ =	sdelay $0x1  }
0x2: {  	s1 =	srdreg.scid  }
0x3: {  	s0 =	sand.u32 $0x1, s1  }
0x4: {  	s18 =	sshll.u32 s0, $0xA;
	s2 =	sadd.s32 s3, s2  }
0x5: {  	s2 =	sadd.s32 s2, s18  }
0x6: {  	[smem:$0x3FC6] =	sst s2  }
0x7: {  	_ = 	snop  }
0x8: {  	s2 =	sld [smem:$0x3FD0];
	(tm) =	ssettm $0x1  }
0x9: {  	s19 =	sld [smem:$0x3FFB];
	_ =	sdelay $0x3  }
0xa: {  	_ =	strace s19  }
0xb: {  	s3 =	sld [smem:$0x3FFC];
	_ =	sdelay $0x3  }
0xc: {  	_ =	strace s3  }
0xd: {  	s3 =	sld [smem:$0x3FFD];
	_ =	sdelay $0x3  }
0xe: {  	_ =	strace s3  }
0xf: {  	_ =	strace $0x8FFFFFFF  }
0x10: {  	s20 =	sld [smem:$0x3FDB];
	_ =	sdelay $0x1  }
0x11: {  	s4 =	simm.s32 $_scs_section_size  }
0x12: {  	s5 =	simm.s32 $_size__tile_overlayer_lowered;
	s6 =	simm.s32 $_tile_overlayer_lowered  }
0x13: {  	s23 =	simm.s32 $0x1BFF;
	s22 =	sshll.u32 s6, $0x1;
	s3 =	sadd.s32 s4, s20  }
0x14: {  	s7 =	simm.s32 $0x0;
	s21 =	sshll.u32 s5, $0x1;
	s5 =	sadd.s32 s22, s3  }
0x15: {  	[timem:s7], [sflag:s23] =	dma.local [hbm:s5], s21  }
0x16: {  	_ =	swait.ge [sflag:s23], s21  }
0x17: {  	s4 =	ssub.s32 $0x0, s21;
	[sflag:s23] =	ssyncset.done $0x0  }
0x18: {  	[sflag:s23] =	ssyncadd.s32 s4;
	_ =	sdelay $0x1  }
0x19: {  	s24 =	simm.s32 $0x1B8B  }
0x1a: {  	_ =	swait.ge [sflag:s24], $0x1  }
0x1b: {  	[sflag:s24] =	ssyncset.done $0x0  }
0x1c: {  	s26 =	simm.s32 $0x1B8E;
	s25 =	sld [smem:$0x3FFE];
	[sflag:s24] =	ssyncadd.s32 $0xFFFFFFFF  }
0x1d: {  	s27 =	simm.s32 $execute0_lowered;
	[smem:$0x3FD2] =	sst s26  }
0x1e: {  	s5 =	sshll.u32 s27, $0x1;
	_ =	strace $0x80000049;
	[dreg:$0x1] =	wrdreg $0xFFFFFFFF  }
0x1f: {  	s28 =	simm.s32 $_size_execute0_lowered;
	s3 =	sadd.s32 s3, s5;
	[dreg:$0x0] =	wrdreg $0x0  }
0x20: {  	s5 =	sshll.u32 s28, $0x1;
	[dreg:$0x2] =	wrdreg s3  }
0x21: {  	[dreg:$0x3] =	wrdreg s5  }
0x22: {  	[dreg:$0x4] =	wrdreg $0xC0  }
0x23: {  	_ =	task [dreg:s7], $0x5FFFF  }
0x24: {  	[dreg:$0x1] =	wrdreg $0xFFFFFFFF  }
0x25: {  	[dreg:$0x0] =	wrdreg $0x60  }
0x26: {  	[dreg:$0x2] =	wrdreg s25  }
0x27: {  	[dreg:$0x3] =	wrdreg s2  }
0x28: {  	[dreg:$0x4] =	wrdreg $0x9  }
0x29: {  	_ =	task.clear_ibuf [dreg:s7], $0x5FFFF;
	_ =	strace $0x90000049  }
0x2a: {  	s29 =	simm.s32 $0x9;
	_ =	strace $0x8000004B  }
0x2b: {  	_ =	swait.ge [sflag:s29], $0x1  }
0x2c: {  	[sflag:s29] =	ssyncadd.s32 $0xFFFFFFFF  }
0x2d: {  	_ =	strace $0x9000004B  }
0x2e: {  	_ =	sfence  }
0x2f: {  	s30 =	sld [smem:$0x0];
	_ =	sdelay $0x2  }
0x30: {  	s31 =	sshll.u32 s1, $0xD;
	s1 =	sshrl.u32 s1, $0x2  }
0x31: {  	s3 =	sand.u32 $0x4000, s31;
	s1 =	sadd.s32 s1, s30  }
0x32: {  	s0 =	sor.u32 s3, s0;
	s1 =	sshll.u32 s1, $0x11  }
0x33: {  	s0 =	sor.u32 s1, s0  }
0x34: {  	s0 =	sadd.s32 $0x8F2B, s0  }
0x35: {  	[sflag:s0] =	ssyncadd.remote.s32 $0x1  }
0x36: {  	_ =	sfence.sel $0xFFFF  }
0x37: {  	[dreg:$0x0] =	wrdreg $0xFFFFFFFF;
	(pc) =	sbr.abs _section_cstart, $3  }
0x38: {  	[dreg:$0x1] =	wrdreg $0xFFFFFFFF  }
0x39: {  	_ =	task.clear_ibuf [dreg:s7], $0x2FFFF;
	_ =	strace $0x9FFFFFFF  }
0x3a: {  	(tm) =	ssettm $0x7FFFFFFF  }
0x3b: {  	_ =	shalt  }
tec
execute0_lowered:
.L_overlay_start_1:
0x0: {  	(tag) =	ssettag $0x1  }
0x1: {  	s0 =	srdreg.scid  }
0x2: {  	s1 =	sshll.u32 s0, $0x4  }
0x3: {  	s0 =	stileid.u32;
	s1 =	sand.u32 $0x10, s1  }
0x4: {  	s1 =	sor.u32 s0, s1  }
0x5: {  	s6 =	rddreg [dreg:$0x0];
	s4 =	simm.s32 $0x1;
	s2 =	sshll.u32 s1, $0x7  }
0x6: {  	s7 =	simm.s32 $0x2;
	s12 =	simm.s32 $0x0;
	s1 =	ssub.s32 $0x4000, s2  }
0x7: {  	s8 =	simm.s32 $0x20000;
	s13 =	simm.s32 $0x0;
	s3 =	sand.u32 $0xF80, s1  }
0x8: {  	s9 =	simm.s32 $0x0;
	s5 =	sshrl.u32 s1, $0xC;
	p0 =	sne.s32 s3, $0x0  }
.Ltmp0:
0x9: {  	s1 =	rddreg [dreg:$0x2];
	s4 =	simm.s32 @!p0 $0x0;
	(pc) =	sbr.rel .LBB1_1-.Ltmp0, $4  }
0xa: {  	s11 =	simm.s32 $0x0;
	s3 =	rddreg [dreg:$0x1];
	s5 =	sadd.s32 s4, s5  }
0xb: {  	_ =	strace $0x8000004A;
	s4 =	simm.s32 $0x1;
	s5 =	smul.u32 $0x32, s5  }
0xc: {  	s6 =	sadd.s32 $0xA00, s6;
	s10 =	smov.u32 s2;
	[sflag:s4] =	ssyncpa.u1 $0x0  }
0xd: {  	p0 =	por $0x0, $0x0;
	[sflag:s7] =	ssyncpa.u1 $0x0;
	s7 =	sor.u32 $0x1, s5  }
.LBB1_4:
0xe: {  	s16 =	sshll.u32 s13, $0x3;
	s17 =	sand.u32 $0x78, s13  }
0xf: {  	s30 =	sand.u32 $0x1F800, s13;
	s12 =	sshll.u32 s12, $0x11;
	s16 =	sand.u32 $0x3C00, s16  }
0x10: {  	[tilespmem:s15+$0x810 ss:$0x81] =	vst.msk $0xffff, v2;
	s31 =	sand.u32 $0x7, s13;
	s16 =	sor.u32 s17, s16;
	s17 =	sadd.s32 s3, s30  }
0x11: {  	[tilespmem:s15+$0x1020 ss:$0x81] =	vst.msk $0xffff, v0;
	s13 =	sshll.u32 s31, $0x12;
	s12 =	sadd.s32 s12, s17;
	s16 =	sshrl.u32 s16, $0x3  }
0x12: {  	[tilespmem:s15+$0x0 ss:$0x81] =	vst.msk $0xffff, v1;
	s13 =	sor.u32 $0x400, s13;
	s12 =	sadd.s32 s16, s12  }
0x13: {  	[hbm4b:s12+s13] =	stream.strided.scatter [tilespmem:s14], [sflag:$0x2], $0x2000, s8, s13, $0x20;
	[tilespmem:$0x8080] =	vst v63  }
.LBB1_5:
0x14: {  	s14 =	sadd.s32 $0x1, s9  }
0x15: {  	s12 =	sadd.s32 $0x1000, s10;
	s16 =	smov.u32 s10;
	p2 =	sgt.s32 s14, $0x31  }
0x16: {  	s16 =	smov.u32 @p2 s12  }
0x17: {  	s14 =	simm.s32 @p2 $0x0;
	p2 =	sgt.s32 s16, $0x3FFF  }
0x18: {  	s16 =	smov.u32 @p2 s2;
	p2 =	sne.s32 s11, s7  }
.Ltmp1:
0x19: {  	p1 =	slt.u32 s11, $0x2;
	(pc) =	sbr.rel @!p2 .LBB1_6-.Ltmp1, $4  }
0x1a: {  	s15 =	simm.s32 @!p1 $0x2  }
0x1b: {  	s13 =	smov.u32 s10;
	p0 =	por !p0, !p0;
	_ =	swait.ge @!p1 [sflag:s15], $0x2000  }
0x1c: {  	s12 =	smov.u32 s9;
	[sflag:s15] =	ssyncset.done @!p1 $0x0;
	s9 =	smov.u32 s14  }
0x1d: {  	s11 =	sadd.s32 $0x1, s11;
	[sflag:s15] =	ssyncadd.s32 @!p1 $0xFFFFE000;
	s10 =	smov.u32 s16  }
.LBB1_1:
0x1e: {  	p1 =	sge.u32 s11, s5  }
0x1f: {  	s14 =	sand.u32 @!p1 $0x1FFFFFF, s9  }
0x20: {  	s15 =	smulhi.u32 @!p1 $0x4924925, s14;
	_ =	sdelay $0x1  }
0x21: {  	s15 =	smul.u32 @!p1 $0x38, s15  }
0x22: {  	s16 =	sxor.u32 @!p1 $0xFFFFFFFF, s11;
	s17 =	smul.u32 @!p1 $0x380, s10  }
0x23: {  	s31 =	sadd.s32 $0xFFFFFFFF, s11;
	s16 =	sshll.u32 @!p1 s16, $0xD;
	s14 =	ssub.s32 @!p1 s14, s15  }
0x24: {  	s15 =	sand.u32 @!p1 $0x2000, s16;
	s16 =	sadd.s32 @!p1 s6, s17;
	s14 =	sshll.u32 @!p1 s14, $0x4  }
0x25: {  	s17 =	simm.s32 @!p1 $0x1C00;
	s14 =	sadd.s32 @!p1 s14, s16;
	s16 =	simm.s32 @!p1 $0x40  }
0x26: {  	[tilespmem:s15], [sflag:$0x1] =	stream.strided.gather @!p1 [hbm4b:s14+s16], $0x2000, s17, s16, $0x38;
	[tilespmem:$0x8080] =	vst v63  }
0x27: {  	p1 =	sge.u32 s31, s5  }
.Ltmp2:
0x28: {  	_ = 	snop;
	(pc) =	sbr.rel @p1 .LBB1_5-.Ltmp2, $1  }
0x29: {  	_ =	sdelay $0x3  }
0x2a: {  	s14 =	simm.s32 $0x1  }
0x2b: {  	_ =	swait.ge [sflag:s4], $0x2000;
	s14 =	simm.s32 @!p0 $0x0  }
0x2c: {  	[sflag:s4] =	ssyncset.done $0x0;
	s15 =	sshll.u32 s14, $0xD  }
0x2d: {  	[sflag:s4] =	ssyncadd.s32 $0xFFFFE000;
	s18 =	sor.u32 $0x20, s15  }
0x2e: {  	s14 =	smul.u32 $0x8100, s14;
	v3 =	vld [tilespmem:s18+$0x10]  }
0x2f: {  	s30 =	sand.u32 $0x1, s11;
	v2 =	vld [tilespmem:s18+$0xFFFFFFF0]  }
0x30: {  	s15 =	smul.u32 $0x8100, s30;
	s14 =	sshrl.u32 s14, $0x2;
	v0 =	vld [tilespmem:s18+$0x0]  }
0x31: {  	v1 =	vld [tilespmem:s18+$0xFFFFFFE0];
	s16 =	sor.u32 $0x4000, s14  }
0x32: {  	s31 =	sshrl.u32 s15, $0x2;
	s15 =	sadd.s32 $0x0, s16  }
0x33: {  	s17 =	simm.s32 $0x4;
	s18 =	sadd.s32 $0x40, s18;
	s14 =	sor.u32 $0x4000, s31;
	[tilespmem:s15+$0x1830 ss:$0x81] =	vst.msk $0xffff, v3  }
.LBB1_3:
0x34: {  	v3 =	vld [tilespmem:s18+$0x10];
	p1 =	sne.s32 s17, $0x1FC;
	[tilespmem:s15+$0x810 ss:$0x81] =	vst.msk $0xffff, v2;
	s19 =	smov.u32 s17;
	s17 =	sadd.s32 $0x4, s17  }
.Ltmp3:
0x35: {  	v2 =	vld [tilespmem:s18+$0xFFFFFFF0];
	[tilespmem:s15+$0x1020 ss:$0x81] =	vst.msk $0xffff, v0;
	(pc) =	sbr.rel @p1 .LBB1_3-.Ltmp3, $4  }
0x36: {  	v0 =	vld [tilespmem:s18+$0x0];
	[tilespmem:s15+$0x0 ss:$0x81] =	vst.msk $0xffff, v1  }
0x37: {  	s15 =	sshra.s32 s19, $0x2;
	v1 =	vld [tilespmem:s18+$0xFFFFFFE0]  }
0x38: {  	s15 =	sadd.s32 s15, s16  }
0x39: {  	s18 =	sadd.s32 $0x40, s18;
	[tilespmem:s15+$0x1830 ss:$0x81] =	vst.msk $0xffff, v3  }
.Ltmp4:
0x3a: {  	_ = 	snop;
	(pc) =	sbr.rel .LBB1_4-.Ltmp4, $1  }
0x3b: {  	_ =	sdelay $0x3  }
.LBB1_6:
0x3c: {  	_ =	sfence.sel $0x180000  }
0x3d: {  	s2 =	simm.s32 $0x1;
	[bflag:$0x0] =	sbarrier.arrive $0xFFFF  }
0x3e: {  	s31 =	simm.s32 $0x2;
	[sflag:s2] =	ssyncpa.u1 $0x1  }
0x3f: {  	[sflag:s31] =	ssyncpa.u1 $0x1  }
0x40: {  	p0 =	sne.s32 s0, $0x0;
	_ =	strace $0x9000004A  }
0x41: {  	s0 =	sadd.s32 @!p0 $0x100000, s1;
	[bflag:$0x2] =	sbarrier.arrive $0xFFFF  }
0x42: {  	[sflag:s0] =	ssyncadd.tile.s32 @!p0 $0x1;
	_ =	shalt  }
.Lfunc_end1:
_tile_overlayer_lowered:
.L_overlay_start_2:
0x43: {  	(tag) =	ssettag $0x2  }
0x44: {  	s0 =	rddreg [dreg:$0x0];
	s2 =	stileid.u32  }
0x45: {  	s1 =	rddreg [dreg:$0x1];
	p0 =	sne.s32 s2, $0x0  }
0x46: {  	s3 =	rddreg [dreg:$0x2];
	[bflag:$0x3] =	sbarrier.arrive $0xFFFF;
	s2 =	simm.s32 @!p0 $0x1C01  }
0x47: {  	[timem:s3], [sflag:s2] =	dma.local @!p0 [hbm:s0], s1  }
0x48: {  	s0 =	simm.s32 @!p0 $0x1  }
0x49: {  	_ =	swait.ge @!p0 [sflag:s0], s1  }
0x4a: {  	s1 =	ssub.s32 @!p0 $0x0, s1;
	[sflag:s0] =	ssyncset.done @!p0 $0x0  }
0x4b: {  	[sflag:s0] =	ssyncadd.s32 @!p0 s1  }
0x4c: {  	[bflag:$0x3] =	sbarrier.arrive $0xFFFF  }
0x4d: {  	_ =	shalt  }

</sc_bundles>
